<compile_context>
chip_gen: v7x
topology: tpu7x:2x2x1
jax: 0.10.2.dev20260603
libtpu: 0.0.44.dev20260713+nightly
codegen_flags: <defaults>
</compile_context>

<pallas_src>
import functools

import jax
import jax.numpy as jnp
from jax import lax
from jax.experimental import pallas as pl
from jax.experimental.pallas import tpu as pltpu
from jax.experimental.pallas import tpu_sc as plsc

WAY = 5
SHOT = 5
QUERY = 15
POS = SHOT + QUERY
EP_ROWS = WAY * POS
WIN = 16


def _make_support_sc(episodes: int, d: int):
    info = plsc.get_sparse_core_info()
    nc, ns = info.num_cores, info.num_subcores
    nw = nc * ns
    assert episodes % nw == 0
    epw = episodes // nw

    mesh = plsc.VectorSubcoreMesh(core_axis_name="c", subcore_axis_name="s")

    @functools.partial(
        pl.kernel,
        mesh=mesh,
        out_type=[
            jax.ShapeDtypeStruct((episodes, WAY * SHOT, d), jnp.float32),
        ],
        scratch_types=[
            pltpu.VMEM((WIN, d), jnp.float32),
            pltpu.VMEM((WIN, d), jnp.float32),
            pltpu.VMEM((WAY * SHOT, d), jnp.float32),
            pltpu.SemaphoreType.DMA,
            pltpu.SemaphoreType.DMA,
            pltpu.SemaphoreType.DMA,
        ],
    )
    def support(f_hbm, sup_hbm, win0, win1, slab, sem_in, sem_mid, sem_out):
        wid = lax.axis_index("s") * nc + lax.axis_index("c")
        wins = (win0, win1)
        out_prev = None
        for el in range(epw):
            ep = wid * epw + el
            in_cp = [None] * WAY
            offs = [None] * WAY
            for w in range(WAY):
                r = ep * EP_ROWS + w * POS
                off = ((el * EP_ROWS + w * POS) % 8)
                w0 = r - off
                offs[w] = off
                in_cp[w] = pltpu.make_async_copy(
                    f_hbm.at[pl.ds(pl.multiple_of(w0, 8), WIN), :],
                    wins[w % 2],
                    sem_in,
                )
            in_cp[0].start()
            in_cp[1].start()
            for w in range(WAY):
                in_cp[w].wait()

                win = wins[w % 2]
                off = offs[w]
                row = w * SHOT

                def body(c, _, win=win, off=off, row=row):
                    base = pl.multiple_of(c * 16, 16)
                    for i in range(SHOT):
                        slab[row + i, pl.ds(base, 16)] = win[
                            off + i, pl.ds(base, 16)
                        ]
                    return 0

                lax.fori_loop(0, d // 16, body, 0)
                if w + 2 < WAY:
                    in_cp[w + 2].start()
            if out_prev is not None:
                out_prev.wait()
            out_prev = pltpu.make_async_copy(slab, sup_hbm.at[ep], sem_out)
            out_prev.start()
        out_prev.wait()

    return support


def _make_query_tc(episodes: int, d: int):
    epb = 8

    def qkernel(f_ref, q_ref):
        ep = f_ref[...].reshape(epb, WAY, POS, d)
        q_ref[...] = ep[:, :, SHOT:, :].reshape(epb, WAY * QUERY, d)

    return pl.pallas_call(
        qkernel,
        grid=(episodes // epb,),
        in_specs=[pl.BlockSpec((epb * EP_ROWS, d), lambda e: (e, 0))],
        out_specs=pl.BlockSpec((epb, WAY * QUERY, d), lambda e: (e, 0, 0)),
        out_shape=jax.ShapeDtypeStruct((episodes, WAY * QUERY, d), jnp.float32),
    )


def kernel(features, mode):
    episodes = features.shape[0] // EP_ROWS
    d = features.shape[-1]

    (support_features,) = _make_support_sc(episodes, d)(features)
    query_features = _make_query_tc(episodes, d)(features)

    labels = jnp.tile(
        jnp.arange(WAY, dtype=jnp.int32).reshape(1, WAY, 1),
        (episodes, 1, POS),
    )
    support_target = labels[:, :, :SHOT].reshape(episodes, WAY * SHOT)
    query_target = labels[:, :, SHOT:].reshape(episodes, WAY * QUERY)
    return support_features, query_features, support_target, query_target

# --- scband reference (transcript-rebuilt; emitter-appended) ---
"""Pipeline reference for scband-abstract-model-89163521065521 (READ-ONLY COPY).

The authoritative reference and input builder live on the scoring server;
editing this copy changes nothing except your own understanding.
"""

import jax, jax.numpy as jnp
import numpy as np

WAY_NUM = 5
SHOT_NUM = 5
QUERY_NUM = 15


def setup_inputs(seed: int = 0) -> dict:
    key = jax.random.key(seed)
    features = jax.random.normal(key, (6400, 2048), dtype=jnp.float32)
    return {"features": features, "mode": 1}


def reference(features, mode):
    # Faithful JAX translation of AbstractModel.split_by_episode with repeats=None, mode=1.
    per_episode = WAY_NUM * (SHOT_NUM + QUERY_NUM)
    episode_size = features.shape[0] // per_episode
    # _generate_local_targets
    local_labels = jnp.tile(
        jnp.arange(WAY_NUM, dtype=jnp.int64).reshape(1, WAY_NUM, 1),
        (episode_size, 1, SHOT_NUM + QUERY_NUM),
    )  # [E, way, shot+query]
    d = features.shape[-1]
    f = features.reshape(episode_size, WAY_NUM, SHOT_NUM + QUERY_NUM, d)
    support_features = f[:, :, :SHOT_NUM, :].reshape(episode_size, WAY_NUM * SHOT_NUM, d)
    query_features = f[:, :, SHOT_NUM:, :].reshape(episode_size, WAY_NUM * QUERY_NUM, d)
    support_target = local_labels[:, :, :SHOT_NUM].reshape(episode_size, WAY_NUM * SHOT_NUM)
    query_target = local_labels[:, :, SHOT_NUM:].reshape(episode_size, WAY_NUM * QUERY_NUM)
    return support_features, query_features, support_target, query_target

if __name__ == "__main__":
    import jax
    _d = setup_inputs()
    print(jax.jit(kernel)(*tuple(_d.values())))

</pallas_src>

<mosaic_0001>
#map = affine_map<(d0, d1) -> (0, 0)>
#map1 = affine_map<(d0, d1) -> (0, 0, 0)>
module attributes {stable_mosaic.version = 14 : i64} {
  func.func @support(%arg0: i32, %arg1: i32, %arg2: memref<6400x2048xf32, #tpu.memory_space<hbm>>, %arg3: memref<64x25x2048xf32, #tpu.memory_space<hbm>>, %arg4: memref<16x2048xf32, #tpu.memory_space<vmem>>, %arg5: memref<16x2048xf32, #tpu.memory_space<vmem>>, %arg6: memref<25x2048xf32, #tpu.memory_space<vmem>>, %arg7: memref<!tpu.dma_semaphore, #tpu.memory_space<semaphore_mem>>, %arg8: memref<!tpu.dma_semaphore, #tpu.memory_space<semaphore_mem>>, %arg9: memref<!tpu.dma_semaphore, #tpu.memory_space<semaphore_mem>>) attributes {dimension_semantics = [#tpu.dimension_semantics<core_parallel>, #tpu.dimension_semantics<subcore_parallel>], iteration_bounds = array<i64: 2, 16>, scalar_prefetch = 0 : i64, scratch_operands = 6 : i64, tpu.core_type = #tpu.core_type<sc_vector_subcore>, window_params = [{transform_indices = #map}, {transform_indices = #map1}]} {
    %mul3A = arith.constant 2 : i32
    %mul3A_0 = arith.muli %arg1, %mul3A : i32
    %add3A = arith.addi %mul3A_0, %arg0 : i32
    %mul3A_1 = arith.constant 2 : i32
    %mul3A_2 = arith.muli %add3A, %mul3A_1 : i32
    %add3A_3 = arith.constant 0 : i32
    %add3A_4 = arith.addi %mul3A_2, %add3A_3 : i32
    %mul3A_5 = arith.constant 100 : i32
    %mul3A_6 = arith.muli %add3A_4, %mul3A_5 : i32
    %add3A_7 = arith.constant 0 : i32
    %add3A_8 = arith.addi %mul3A_6, %add3A_7 : i32
    %sub3A = arith.constant 0 : i32
    %sub3A_9 = arith.subi %add3A_8, %sub3A : i32
    %multiple_of3A = tpu.assume_multiple %sub3A_9, 8 : i32
    %mul3A_10 = arith.constant 100 : i32
    %mul3A_11 = arith.muli %add3A_4, %mul3A_10 : i32
    %add3A_12 = arith.constant 20 : i32
    %add3A_13 = arith.addi %mul3A_11, %add3A_12 : i32
    %sub3A_14 = arith.constant 4 : i32
    %sub3A_15 = arith.subi %add3A_13, %sub3A_14 : i32
    %multiple_of3A_16 = tpu.assume_multiple %sub3A_15, 8 : i32
    %mul3A_17 = arith.constant 100 : i32
    %mul3A_18 = arith.muli %add3A_4, %mul3A_17 : i32
    %add3A_19 = arith.constant 40 : i32
    %add3A_20 = arith.addi %mul3A_18, %add3A_19 : i32
    %sub3A_21 = arith.constant 0 : i32
    %sub3A_22 = arith.subi %add3A_20, %sub3A_21 : i32
    %multiple_of3A_23 = tpu.assume_multiple %sub3A_22, 8 : i32
    %mul3A_24 = arith.constant 100 : i32
    %mul3A_25 = arith.muli %add3A_4, %mul3A_24 : i32
    %add3A_26 = arith.constant 60 : i32
    %add3A_27 = arith.addi %mul3A_25, %add3A_26 : i32
    %sub3A_28 = arith.constant 4 : i32
    %sub3A_29 = arith.subi %add3A_27, %sub3A_28 : i32
    %multiple_of3A_30 = tpu.assume_multiple %sub3A_29, 8 : i32
    %mul3A_31 = arith.constant 100 : i32
    %mul3A_32 = arith.muli %add3A_4, %mul3A_31 : i32
    %add3A_33 = arith.constant 80 : i32
    %add3A_34 = arith.addi %mul3A_32, %add3A_33 : i32
    %sub3A_35 = arith.constant 0 : i32
    %sub3A_36 = arith.subi %add3A_34, %sub3A_35 : i32
    %multiple_of3A_37 = tpu.assume_multiple %sub3A_36, 8 : i32
    %dma_start3A = arith.constant 0 : i32
    %dma_start3A_38 = tpu.memref_slice %arg2[%multiple_of3A, %dma_start3A] : memref<6400x2048xf32, #tpu.memory_space<hbm>> -> memref<16x2048xf32, #tpu.memory_space<hbm>>
    %dma_start3A_39 = arith.constant 0 : i32
    %dma_start3A_40 = tpu.memref_slice %arg2[%multiple_of3A, %dma_start3A_39] : memref<6400x2048xf32, #tpu.memory_space<hbm>> -> memref<16x2048xf32, #tpu.memory_space<hbm>>
    tpu.enqueue_dma source(%dma_start3A_40 : memref<16x2048xf32, #tpu.memory_space<hbm>>) target(%arg4 : memref<16x2048xf32, #tpu.memory_space<vmem>>) target_semaphore(%arg7 : memref<!tpu.dma_semaphore, #tpu.memory_space<semaphore_mem>>)
    %dma_start3A_41 = arith.constant 0 : i32
    %dma_start3A_42 = tpu.memref_slice %arg2[%multiple_of3A_16, %dma_start3A_41] : memref<6400x2048xf32, #tpu.memory_space<hbm>> -> memref<16x2048xf32, #tpu.memory_space<hbm>>
    %dma_start3A_43 = arith.constant 0 : i32
    %dma_start3A_44 = tpu.memref_slice %arg2[%multiple_of3A_16, %dma_start3A_43] : memref<6400x2048xf32, #tpu.memory_space<hbm>> -> memref<16x2048xf32, #tpu.memory_space<hbm>>
    tpu.enqueue_dma source(%dma_start3A_44 : memref<16x2048xf32, #tpu.memory_space<hbm>>) target(%arg5 : memref<16x2048xf32, #tpu.memory_space<vmem>>) target_semaphore(%arg7 : memref<!tpu.dma_semaphore, #tpu.memory_space<semaphore_mem>>)
    %dma_wait3A = arith.constant 0 : i32
    %dma_wait3A_45 = tpu.memref_slice %arg2[%multiple_of3A, %dma_wait3A] : memref<6400x2048xf32, #tpu.memory_space<hbm>> -> memref<16x2048xf32, #tpu.memory_space<hbm>>
    %dma_wait3A_46 = arith.constant 0 : i32
    %dma_wait3A_47 = tpu.memref_slice %arg2[%multiple_of3A, %dma_wait3A_46] : memref<6400x2048xf32, #tpu.memory_space<hbm>> -> memref<16x2048xf32, #tpu.memory_space<hbm>>
    tpu.wait_dma2 semaphore(%arg7 : memref<!tpu.dma_semaphore, #tpu.memory_space<semaphore_mem>>) src(%dma_wait3A_47 : memref<16x2048xf32, #tpu.memory_space<hbm>>) dst(%arg4 : memref<16x2048xf32, #tpu.memory_space<vmem>>)
    %scan3A = arith.constant 0 : i32
    %scan3A_48 = arith.constant 0 : i32
    %scan3A_49 = arith.constant 128 : i32
    %scan3A_50 = arith.addi %scan3A_48, %scan3A_49 : i32
    %scan3A_51 = arith.constant 1 : i32
    %scan3A_52 = scf.for %scan3A_256 = %scan3A_48 to %scan3A_50 step %scan3A_51 iter_args(%scan3A_257 = %scan3A) -> (i32)  : i32 {
      %mul3A_258 = arith.constant 16 : i32
      %mul3A_259 = arith.muli %scan3A_256, %mul3A_258 : i32
      %multiple_of3A_260 = tpu.assume_multiple %mul3A_259, 16 : i32
      %get3A = arith.constant 0 : i32
      %get3A_261 = arith.index_cast %get3A : i32 to index
      %get3A_262 = arith.index_cast %multiple_of3A_260 : i32 to index
      %get3A_263 = tpu.vector_load %arg4[%get3A_261, %get3A_262] {strides = array<i32>} : memref<16x2048xf32, #tpu.memory_space<vmem>>, vector<1x16xf32>,
      %get3A_264 = vector.shape_cast %get3A_263 : vector<1x16xf32> to vector<16xf32>
      %swap3A = arith.constant 0 : i32
      %swap3A_265 = arith.index_cast %swap3A : i32 to index
      %swap3A_266 = arith.index_cast %multiple_of3A_260 : i32 to index
      %swap3A_267 = tpu.vector_load %arg6[%swap3A_265, %swap3A_266] {strides = array<i32>} : memref<25x2048xf32, #tpu.memory_space<vmem>>, vector<1x16xf32>,
      %swap3A_268 = vector.shape_cast %swap3A_267 : vector<1x16xf32> to vector<16xf32>
      %swap3A_269 = vector.shape_cast %get3A_264 : vector<16xf32> to vector<1x16xf32>
      tpu.vector_store %arg6[%swap3A_265, %swap3A_266], %swap3A_269 {strides = array<i32>} : memref<25x2048xf32, #tpu.memory_space<vmem>>, vector<1x16xf32>,
      %get3A_270 = arith.constant 1 : i32
      %get3A_271 = arith.index_cast %get3A_270 : i32 to index
      %get3A_272 = arith.index_cast %multiple_of3A_260 : i32 to index
      %get3A_273 = tpu.vector_load %arg4[%get3A_271, %get3A_272] {strides = array<i32>} : memref<16x2048xf32, #tpu.memory_space<vmem>>, vector<1x16xf32>,
      %get3A_274 = vector.shape_cast %get3A_273 : vector<1x16xf32> to vector<16xf32>
      %swap3A_275 = arith.constant 1 : i32
      %swap3A_276 = arith.index_cast %swap3A_275 : i32 to index
      %swap3A_277 = arith.index_cast %multiple_of3A_260 : i32 to index
      %swap3A_278 = tpu.vector_load %arg6[%swap3A_276, %swap3A_277] {strides = array<i32>} : memref<25x2048xf32, #tpu.memory_space<vmem>>, vector<1x16xf32>,
      %swap3A_279 = vector.shape_cast %swap3A_278 : vector<1x16xf32> to vector<16xf32>
      %swap3A_280 = vector.shape_cast %get3A_274 : vector<16xf32> to vector<1x16xf32>
      tpu.vector_store %arg6[%swap3A_276, %swap3A_277], %swap3A_280 {strides = array<i32>} : memref<25x2048xf32, #tpu.memory_space<vmem>>, vector<1x16xf32>,
      %get3A_281 = arith.constant 2 : i32
      %get3A_282 = arith.index_cast %get3A_281 : i32 to index
      %get3A_283 = arith.index_cast %multiple_of3A_260 : i32 to index
      %get3A_284 = tpu.vector_load %arg4[%get3A_282, %get3A_283] {strides = array<i32>} : memref<16x2048xf32, #tpu.memory_space<vmem>>, vector<1x16xf32>,
      %get3A_285 = vector.shape_cast %get3A_284 : vector<1x16xf32> to vector<16xf32>
      %swap3A_286 = arith.constant 2 : i32
      %swap3A_287 = arith.index_cast %swap3A_286 : i32 to index
      %swap3A_288 = arith.index_cast %multiple_of3A_260 : i32 to index
      %swap3A_289 = tpu.vector_load %arg6[%swap3A_287, %swap3A_288] {strides = array<i32>} : memref<25x2048xf32, #tpu.memory_space<vmem>>, vector<1x16xf32>,
      %swap3A_290 = vector.shape_cast %swap3A_289 : vector<1x16xf32> to vector<16xf32>
      %swap3A_291 = vector.shape_cast %get3A_285 : vector<16xf32> to vector<1x16xf32>
      tpu.vector_store %arg6[%swap3A_287, %swap3A_288], %swap3A_291 {strides = array<i32>} : memref<25x2048xf32, #tpu.memory_space<vmem>>, vector<1x16xf32>,
      %get3A_292 = arith.constant 3 : i32
      %get3A_293 = arith.index_cast %get3A_292 : i32 to index
      %get3A_294 = arith.index_cast %multiple_of3A_260 : i32 to index
      %get3A_295 = tpu.vector_load %arg4[%get3A_293, %get3A_294] {strides = array<i32>} : memref<16x2048xf32, #tpu.memory_space<vmem>>, vector<1x16xf32>,
      %get3A_296 = vector.shape_cast %get3A_295 : vector<1x16xf32> to vector<16xf32>
      %swap3A_297 = arith.constant 3 : i32
      %swap3A_298 = arith.index_cast %swap3A_297 : i32 to index
      %swap3A_299 = arith.index_cast %multiple_of3A_260 : i32 to index
      %swap3A_300 = tpu.vector_load %arg6[%swap3A_298, %swap3A_299] {strides = array<i32>} : memref<25x2048xf32, #tpu.memory_space<vmem>>, vector<1x16xf32>,
      %swap3A_301 = vector.shape_cast %swap3A_300 : vector<1x16xf32> to vector<16xf32>
      %swap3A_302 = vector.shape_cast %get3A_296 : vector<16xf32> to vector<1x16xf32>
      tpu.vector_store %arg6[%swap3A_298, %swap3A_299], %swap3A_302 {strides = array<i32>} : memref<25x2048xf32, #tpu.memory_space<vmem>>, vector<1x16xf32>,
      %get3A_303 = arith.constant 4 : i32
      %get3A_304 = arith.index_cast %get3A_303 : i32 to index
      %get3A_305 = arith.index_cast %multiple_of3A_260 : i32 to index
      %get3A_306 = tpu.vector_load %arg4[%get3A_304, %get3A_305] {strides = array<i32>} : memref<16x2048xf32, #tpu.memory_space<vmem>>, vector<1x16xf32>,
      %get3A_307 = vector.shape_cast %get3A_306 : vector<1x16xf32> to vector<16xf32>
      %swap3A_308 = arith.constant 4 : i32
      %swap3A_309 = arith.index_cast %swap3A_308 : i32 to index
      %swap3A_310 = arith.index_cast %multiple_of3A_260 : i32 to index
      %swap3A_311 = tpu.vector_load %arg6[%swap3A_309, %swap3A_310] {strides = array<i32>} : memref<25x2048xf32, #tpu.memory_space<vmem>>, vector<1x16xf32>,
      %swap3A_312 = vector.shape_cast %swap3A_311 : vector<1x16xf32> to vector<16xf32>
      %swap3A_313 = vector.shape_cast %get3A_307 : vector<16xf32> to vector<1x16xf32>
      tpu.vector_store %arg6[%swap3A_309, %swap3A_310], %swap3A_313 {strides = array<i32>} : memref<25x2048xf32, #tpu.memory_space<vmem>>, vector<1x16xf32>,
      %scan3A_314 = arith.constant 0 : i32
      scf.yield %scan3A_314 : i32
    }
    %scan3A_53 = arith.constant 128 : i32
    %dma_start3A_54 = arith.constant 0 : i32
    %dma_start3A_55 = tpu.memref_slice %arg2[%multiple_of3A_23, %dma_start3A_54] : memref<6400x2048xf32, #tpu.memory_space<hbm>> -> memref<16x2048xf32, #tpu.memory_space<hbm>>
    %dma_start3A_56 = arith.constant 0 : i32
    %dma_start3A_57 = tpu.memref_slice %arg2[%multiple_of3A_23, %dma_start3A_56] : memref<6400x2048xf32, #tpu.memory_space<hbm>> -> memref<16x2048xf32, #tpu.memory_space<hbm>>
    tpu.enqueue_dma source(%dma_start3A_57 : memref<16x2048xf32, #tpu.memory_space<hbm>>) target(%arg4 : memref<16x2048xf32, #tpu.memory_space<vmem>>) target_semaphore(%arg7 : memref<!tpu.dma_semaphore, #tpu.memory_space<semaphore_mem>>)
    %dma_wait3A_58 = arith.constant 0 : i32
    %dma_wait3A_59 = tpu.memref_slice %arg2[%multiple_of3A_16, %dma_wait3A_58] : memref<6400x2048xf32, #tpu.memory_space<hbm>> -> memref<16x2048xf32, #tpu.memory_space<hbm>>
    %dma_wait3A_60 = arith.constant 0 : i32
    %dma_wait3A_61 = tpu.memref_slice %arg2[%multiple_of3A_16, %dma_wait3A_60] : memref<6400x2048xf32, #tpu.memory_space<hbm>> -> memref<16x2048xf32, #tpu.memory_space<hbm>>
    tpu.wait_dma2 semaphore(%arg7 : memref<!tpu.dma_semaphore, #tpu.memory_space<semaphore_mem>>) src(%dma_wait3A_61 : memref<16x2048xf32, #tpu.memory_space<hbm>>) dst(%arg5 : memref<16x2048xf32, #tpu.memory_space<vmem>>)
    %scan3A_62 = arith.constant 0 : i32
    %scan3A_63 = arith.constant 0 : i32
    %scan3A_64 = arith.constant 128 : i32
    %scan3A_65 = arith.addi %scan3A_63, %scan3A_64 : i32
    %scan3A_66 = arith.constant 1 : i32
    %scan3A_67 = scf.for %scan3A_256 = %scan3A_63 to %scan3A_65 step %scan3A_66 iter_args(%scan3A_257 = %scan3A_62) -> (i32)  : i32 {
      %mul3A_258 = arith.constant 16 : i32
      %mul3A_259 = arith.muli %scan3A_256, %mul3A_258 : i32
      %multiple_of3A_260 = tpu.assume_multiple %mul3A_259, 16 : i32
      %get3A = arith.constant 4 : i32
      %get3A_261 = arith.index_cast %get3A : i32 to index
      %get3A_262 = arith.index_cast %multiple_of3A_260 : i32 to index
      %get3A_263 = tpu.vector_load %arg5[%get3A_261, %get3A_262] {strides = array<i32>} : memref<16x2048xf32, #tpu.memory_space<vmem>>, vector<1x16xf32>,
      %get3A_264 = vector.shape_cast %get3A_263 : vector<1x16xf32> to vector<16xf32>
      %swap3A = arith.constant 5 : i32
      %swap3A_265 = arith.index_cast %swap3A : i32 to index
      %swap3A_266 = arith.index_cast %multiple_of3A_260 : i32 to index
      %swap3A_267 = tpu.vector_load %arg6[%swap3A_265, %swap3A_266] {strides = array<i32>} : memref<25x2048xf32, #tpu.memory_space<vmem>>, vector<1x16xf32>,
      %swap3A_268 = vector.shape_cast %swap3A_267 : vector<1x16xf32> to vector<16xf32>
      %swap3A_269 = vector.shape_cast %get3A_264 : vector<16xf32> to vector<1x16xf32>
      tpu.vector_store %arg6[%swap3A_265, %swap3A_266], %swap3A_269 {strides = array<i32>} : memref<25x2048xf32, #tpu.memory_space<vmem>>, vector<1x16xf32>,
      %get3A_270 = arith.constant 5 : i32
      %get3A_271 = arith.index_cast %get3A_270 : i32 to index
      %get3A_272 = arith.index_cast %multiple_of3A_260 : i32 to index
      %get3A_273 = tpu.vector_load %arg5[%get3A_271, %get3A_272] {strides = array<i32>} : memref<16x2048xf32, #tpu.memory_space<vmem>>, vector<1x16xf32>,
      %get3A_274 = vector.shape_cast %get3A_273 : vector<1x16xf32> to vector<16xf32>
      %swap3A_275 = arith.constant 6 : i32
      %swap3A_276 = arith.index_cast %swap3A_275 : i32 to index
      %swap3A_277 = arith.index_cast %multiple_of3A_260 : i32 to index
      %swap3A_278 = tpu.vector_load %arg6[%swap3A_276, %swap3A_277] {strides = array<i32>} : memref<25x2048xf32, #tpu.memory_space<vmem>>, vector<1x16xf32>,
      %swap3A_279 = vector.shape_cast %swap3A_278 : vector<1x16xf32> to vector<16xf32>
      %swap3A_280 = vector.shape_cast %get3A_274 : vector<16xf32> to vector<1x16xf32>
      tpu.vector_store %arg6[%swap3A_276, %swap3A_277], %swap3A_280 {strides = array<i32>} : memref<25x2048xf32, #tpu.memory_space<vmem>>, vector<1x16xf32>,
      %get3A_281 = arith.constant 6 : i32
      %get3A_282 = arith.index_cast %get3A_281 : i32 to index
      %get3A_283 = arith.index_cast %multiple_of3A_260 : i32 to index
      %get3A_284 = tpu.vector_load %arg5[%get3A_282, %get3A_283] {strides = array<i32>} : memref<16x2048xf32, #tpu.memory_space<vmem>>, vector<1x16xf32>,
      %get3A_285 = vector.shape_cast %get3A_284 : vector<1x16xf32> to vector<16xf32>
      %swap3A_286 = arith.constant 7 : i32
      %swap3A_287 = arith.index_cast %swap3A_286 : i32 to index
      %swap3A_288 = arith.index_cast %multiple_of3A_260 : i32 to index
      %swap3A_289 = tpu.vector_load %arg6[%swap3A_287, %swap3A_288] {strides = array<i32>} : memref<25x2048xf32, #tpu.memory_space<vmem>>, vector<1x16xf32>,
      %swap3A_290 = vector.shape_cast %swap3A_289 : vector<1x16xf32> to vector<16xf32>
      %swap3A_291 = vector.shape_cast %get3A_285 : vector<16xf32> to vector<1x16xf32>
      tpu.vector_store %arg6[%swap3A_287, %swap3A_288], %swap3A_291 {strides = array<i32>} : memref<25x2048xf32, #tpu.memory_space<vmem>>, vector<1x16xf32>,
      %get3A_292 = arith.constant 7 : i32
      %get3A_293 = arith.index_cast %get3A_292 : i32 to index
      %get3A_294 = arith.index_cast %multiple_of3A_260 : i32 to index
      %get3A_295 = tpu.vector_load %arg5[%get3A_293, %get3A_294] {strides = array<i32>} : memref<16x2048xf32, #tpu.memory_space<vmem>>, vector<1x16xf32>,
      %get3A_296 = vector.shape_cast %get3A_295 : vector<1x16xf32> to vector<16xf32>
      %swap3A_297 = arith.constant 8 : i32
      %swap3A_298 = arith.index_cast %swap3A_297 : i32 to index
      %swap3A_299 = arith.index_cast %multiple_of3A_260 : i32 to index
      %swap3A_300 = tpu.vector_load %arg6[%swap3A_298, %swap3A_299] {strides = array<i32>} : memref<25x2048xf32, #tpu.memory_space<vmem>>, vector<1x16xf32>,
      %swap3A_301 = vector.shape_cast %swap3A_300 : vector<1x16xf32> to vector<16xf32>
      %swap3A_302 = vector.shape_cast %get3A_296 : vector<16xf32> to vector<1x16xf32>
      tpu.vector_store %arg6[%swap3A_298, %swap3A_299], %swap3A_302 {strides = array<i32>} : memref<25x2048xf32, #tpu.memory_space<vmem>>, vector<1x16xf32>,
      %get3A_303 = arith.constant 8 : i32
      %get3A_304 = arith.index_cast %get3A_303 : i32 to index
      %get3A_305 = arith.index_cast %multiple_of3A_260 : i32 to index
      %get3A_306 = tpu.vector_load %arg5[%get3A_304, %get3A_305] {strides = array<i32>} : memref<16x2048xf32, #tpu.memory_space<vmem>>, vector<1x16xf32>,
      %get3A_307 = vector.shape_cast %get3A_306 : vector<1x16xf32> to vector<16xf32>
      %swap3A_308 = arith.constant 9 : i32
      %swap3A_309 = arith.index_cast %swap3A_308 : i32 to index
      %swap3A_310 = arith.index_cast %multiple_of3A_260 : i32 to index
      %swap3A_311 = tpu.vector_load %arg6[%swap3A_309, %swap3A_310] {strides = array<i32>} : memref<25x2048xf32, #tpu.memory_space<vmem>>, vector<1x16xf32>,
      %swap3A_312 = vector.shape_cast %swap3A_311 : vector<1x16xf32> to vector<16xf32>
      %swap3A_313 = vector.shape_cast %get3A_307 : vector<16xf32> to vector<1x16xf32>
      tpu.vector_store %arg6[%swap3A_309, %swap3A_310], %swap3A_313 {strides = array<i32>} : memref<25x2048xf32, #tpu.memory_space<vmem>>, vector<1x16xf32>,
      %scan3A_314 = arith.constant 0 : i32
      scf.yield %scan3A_314 : i32
    }
    %scan3A_68 = arith.constant 128 : i32
    %dma_start3A_69 = arith.constant 0 : i32
    %dma_start3A_70 = tpu.memref_slice %arg2[%multiple_of3A_30, %dma_start3A_69] : memref<6400x2048xf32, #tpu.memory_space<hbm>> -> memref<16x2048xf32, #tpu.memory_space<hbm>>
    %dma_start3A_71 = arith.constant 0 : i32
    %dma_start3A_72 = tpu.memref_slice %arg2[%multiple_of3A_30, %dma_start3A_71] : memref<6400x2048xf32, #tpu.memory_space<hbm>> -> memref<16x2048xf32, #tpu.memory_space<hbm>>
    tpu.enqueue_dma source(%dma_start3A_72 : memref<16x2048xf32, #tpu.memory_space<hbm>>) target(%arg5 : memref<16x2048xf32, #tpu.memory_space<vmem>>) target_semaphore(%arg7 : memref<!tpu.dma_semaphore, #tpu.memory_space<semaphore_mem>>)
    %dma_wait3A_73 = arith.constant 0 : i32
    %dma_wait3A_74 = tpu.memref_slice %arg2[%multiple_of3A_23, %dma_wait3A_73] : memref<6400x2048xf32, #tpu.memory_space<hbm>> -> memref<16x2048xf32, #tpu.memory_space<hbm>>
    %dma_wait3A_75 = arith.constant 0 : i32
    %dma_wait3A_76 = tpu.memref_slice %arg2[%multiple_of3A_23, %dma_wait3A_75] : memref<6400x2048xf32, #tpu.memory_space<hbm>> -> memref<16x2048xf32, #tpu.memory_space<hbm>>
    tpu.wait_dma2 semaphore(%arg7 : memref<!tpu.dma_semaphore, #tpu.memory_space<semaphore_mem>>) src(%dma_wait3A_76 : memref<16x2048xf32, #tpu.memory_space<hbm>>) dst(%arg4 : memref<16x2048xf32, #tpu.memory_space<vmem>>)
    %scan3A_77 = arith.constant 0 : i32
    %scan3A_78 = arith.constant 0 : i32
    %scan3A_79 = arith.constant 128 : i32
    %scan3A_80 = arith.addi %scan3A_78, %scan3A_79 : i32
    %scan3A_81 = arith.constant 1 : i32
    %scan3A_82 = scf.for %scan3A_256 = %scan3A_78 to %scan3A_80 step %scan3A_81 iter_args(%scan3A_257 = %scan3A_77) -> (i32)  : i32 {
      %mul3A_258 = arith.constant 16 : i32
      %mul3A_259 = arith.muli %scan3A_256, %mul3A_258 : i32
      %multiple_of3A_260 = tpu.assume_multiple %mul3A_259, 16 : i32
      %get3A = arith.constant 0 : i32
      %get3A_261 = arith.index_cast %get3A : i32 to index
      %get3A_262 = arith.index_cast %multiple_of3A_260 : i32 to index
      %get3A_263 = tpu.vector_load %arg4[%get3A_261, %get3A_262] {strides = array<i32>} : memref<16x2048xf32, #tpu.memory_space<vmem>>, vector<1x16xf32>,
      %get3A_264 = vector.shape_cast %get3A_263 : vector<1x16xf32> to vector<16xf32>
      %swap3A = arith.constant 10 : i32
      %swap3A_265 = arith.index_cast %swap3A : i32 to index
      %swap3A_266 = arith.index_cast %multiple_of3A_260 : i32 to index
      %swap3A_267 = tpu.vector_load %arg6[%swap3A_265, %swap3A_266] {strides = array<i32>} : memref<25x2048xf32, #tpu.memory_space<vmem>>, vector<1x16xf32>,
      %swap3A_268 = vector.shape_cast %swap3A_267 : vector<1x16xf32> to vector<16xf32>
      %swap3A_269 = vector.shape_cast %get3A_264 : vector<16xf32> to vector<1x16xf32>
      tpu.vector_store %arg6[%swap3A_265, %swap3A_266], %swap3A_269 {strides = array<i32>} : memref<25x2048xf32, #tpu.memory_space<vmem>>, vector<1x16xf32>,
      %get3A_270 = arith.constant 1 : i32
      %get3A_271 = arith.index_cast %get3A_270 : i32 to index
      %get3A_272 = arith.index_cast %multiple_of3A_260 : i32 to index
      %get3A_273 = tpu.vector_load %arg4[%get3A_271, %get3A_272] {strides = array<i32>} : memref<16x2048xf32, #tpu.memory_space<vmem>>, vector<1x16xf32>,
      %get3A_274 = vector.shape_cast %get3A_273 : vector<1x16xf32> to vector<16xf32>
      %swap3A_275 = arith.constant 11 : i32
      %swap3A_276 = arith.index_cast %swap3A_275 : i32 to index
      %swap3A_277 = arith.index_cast %multiple_of3A_260 : i32 to index
      %swap3A_278 = tpu.vector_load %arg6[%swap3A_276, %swap3A_277] {strides = array<i32>} : memref<25x2048xf32, #tpu.memory_space<vmem>>, vector<1x16xf32>,
      %swap3A_279 = vector.shape_cast %swap3A_278 : vector<1x16xf32> to vector<16xf32>
      %swap3A_280 = vector.shape_cast %get3A_274 : vector<16xf32> to vector<1x16xf32>
      tpu.vector_store %arg6[%swap3A_276, %swap3A_277], %swap3A_280 {strides = array<i32>} : memref<25x2048xf32, #tpu.memory_space<vmem>>, vector<1x16xf32>,
      %get3A_281 = arith.constant 2 : i32
      %get3A_282 = arith.index_cast %get3A_281 : i32 to index
      %get3A_283 = arith.index_cast %multiple_of3A_260 : i32 to index
      %get3A_284 = tpu.vector_load %arg4[%get3A_282, %get3A_283] {strides = array<i32>} : memref<16x2048xf32, #tpu.memory_space<vmem>>, vector<1x16xf32>,
      %get3A_285 = vector.shape_cast %get3A_284 : vector<1x16xf32> to vector<16xf32>
      %swap3A_286 = arith.constant 12 : i32
      %swap3A_287 = arith.index_cast %swap3A_286 : i32 to index
      %swap3A_288 = arith.index_cast %multiple_of3A_260 : i32 to index
      %swap3A_289 = tpu.vector_load %arg6[%swap3A_287, %swap3A_288] {strides = array<i32>} : memref<25x2048xf32, #tpu.memory_space<vmem>>, vector<1x16xf32>,
      %swap3A_290 = vector.shape_cast %swap3A_289 : vector<1x16xf32> to vector<16xf32>
      %swap3A_291 = vector.shape_cast %get3A_285 : vector<16xf32> to vector<1x16xf32>
      tpu.vector_store %arg6[%swap3A_287, %swap3A_288], %swap3A_291 {strides = array<i32>} : memref<25x2048xf32, #tpu.memory_space<vmem>>, vector<1x16xf32>,
      %get3A_292 = arith.constant 3 : i32
      %get3A_293 = arith.index_cast %get3A_292 : i32 to index
      %get3A_294 = arith.index_cast %multiple_of3A_260 : i32 to index
      %get3A_295 = tpu.vector_load %arg4[%get3A_293, %get3A_294] {strides = array<i32>} : memref<16x2048xf32, #tpu.memory_space<vmem>>, vector<1x16xf32>,
      %get3A_296 = vector.shape_cast %get3A_295 : vector<1x16xf32> to vector<16xf32>
      %swap3A_297 = arith.constant 13 : i32
      %swap3A_298 = arith.index_cast %swap3A_297 : i32 to index
      %swap3A_299 = arith.index_cast %multiple_of3A_260 : i32 to index
      %swap3A_300 = tpu.vector_load %arg6[%swap3A_298, %swap3A_299] {strides = array<i32>} : memref<25x2048xf32, #tpu.memory_space<vmem>>, vector<1x16xf32>,
      %swap3A_301 = vector.shape_cast %swap3A_300 : vector<1x16xf32> to vector<16xf32>
      %swap3A_302 = vector.shape_cast %get3A_296 : vector<16xf32> to vector<1x16xf32>
      tpu.vector_store %arg6[%swap3A_298, %swap3A_299], %swap3A_302 {strides = array<i32>} : memref<25x2048xf32, #tpu.memory_space<vmem>>, vector<1x16xf32>,
      %get3A_303 = arith.constant 4 : i32
      %get3A_304 = arith.index_cast %get3A_303 : i32 to index
      %get3A_305 = arith.index_cast %multiple_of3A_260 : i32 to index
      %get3A_306 = tpu.vector_load %arg4[%get3A_304, %get3A_305] {strides = array<i32>} : memref<16x2048xf32, #tpu.memory_space<vmem>>, vector<1x16xf32>,
      %get3A_307 = vector.shape_cast %get3A_306 : vector<1x16xf32> to vector<16xf32>
      %swap3A_308 = arith.constant 14 : i32
      %swap3A_309 = arith.index_cast %swap3A_308 : i32 to index
      %swap3A_310 = arith.index_cast %multiple_of3A_260 : i32 to index
      %swap3A_311 = tpu.vector_load %arg6[%swap3A_309, %swap3A_310] {strides = array<i32>} : memref<25x2048xf32, #tpu.memory_space<vmem>>, vector<1x16xf32>,
      %swap3A_312 = vector.shape_cast %swap3A_311 : vector<1x16xf32> to vector<16xf32>
      %swap3A_313 = vector.shape_cast %get3A_307 : vector<16xf32> to vector<1x16xf32>
      tpu.vector_store %arg6[%swap3A_309, %swap3A_310], %swap3A_313 {strides = array<i32>} : memref<25x2048xf32, #tpu.memory_space<vmem>>, vector<1x16xf32>,
      %scan3A_314 = arith.constant 0 : i32
      scf.yield %scan3A_314 : i32
    }
    %scan3A_83 = arith.constant 128 : i32
    %dma_start3A_84 = arith.constant 0 : i32
    %dma_start3A_85 = tpu.memref_slice %arg2[%multiple_of3A_37, %dma_start3A_84] : memref<6400x2048xf32, #tpu.memory_space<hbm>> -> memref<16x2048xf32, #tpu.memory_space<hbm>>
    %dma_start3A_86 = arith.constant 0 : i32
    %dma_start3A_87 = tpu.memref_slice %arg2[%multiple_of3A_37, %dma_start3A_86] : memref<6400x2048xf32, #tpu.memory_space<hbm>> -> memref<16x2048xf32, #tpu.memory_space<hbm>>
    tpu.enqueue_dma source(%dma_start3A_87 : memref<16x2048xf32, #tpu.memory_space<hbm>>) target(%arg4 : memref<16x2048xf32, #tpu.memory_space<vmem>>) target_semaphore(%arg7 : memref<!tpu.dma_semaphore, #tpu.memory_space<semaphore_mem>>)
    %dma_wait3A_88 = arith.constant 0 : i32
    %dma_wait3A_89 = tpu.memref_slice %arg2[%multiple_of3A_30, %dma_wait3A_88] : memref<6400x2048xf32, #tpu.memory_space<hbm>> -> memref<16x2048xf32, #tpu.memory_space<hbm>>
    %dma_wait3A_90 = arith.constant 0 : i32
    %dma_wait3A_91 = tpu.memref_slice %arg2[%multiple_of3A_30, %dma_wait3A_90] : memref<6400x2048xf32, #tpu.memory_space<hbm>> -> memref<16x2048xf32, #tpu.memory_space<hbm>>
    tpu.wait_dma2 semaphore(%arg7 : memref<!tpu.dma_semaphore, #tpu.memory_space<semaphore_mem>>) src(%dma_wait3A_91 : memref<16x2048xf32, #tpu.memory_space<hbm>>) dst(%arg5 : memref<16x2048xf32, #tpu.memory_space<vmem>>)
    %scan3A_92 = arith.constant 0 : i32
    %scan3A_93 = arith.constant 0 : i32
    %scan3A_94 = arith.constant 128 : i32
    %scan3A_95 = arith.addi %scan3A_93, %scan3A_94 : i32
    %scan3A_96 = arith.constant 1 : i32
    %scan3A_97 = scf.for %scan3A_256 = %scan3A_93 to %scan3A_95 step %scan3A_96 iter_args(%scan3A_257 = %scan3A_92) -> (i32)  : i32 {
      %mul3A_258 = arith.constant 16 : i32
      %mul3A_259 = arith.muli %scan3A_256, %mul3A_258 : i32
      %multiple_of3A_260 = tpu.assume_multiple %mul3A_259, 16 : i32
      %get3A = arith.constant 4 : i32
      %get3A_261 = arith.index_cast %get3A : i32 to index
      %get3A_262 = arith.index_cast %multiple_of3A_260 : i32 to index
      %get3A_263 = tpu.vector_load %arg5[%get3A_261, %get3A_262] {strides = array<i32>} : memref<16x2048xf32, #tpu.memory_space<vmem>>, vector<1x16xf32>,
      %get3A_264 = vector.shape_cast %get3A_263 : vector<1x16xf32> to vector<16xf32>
      %swap3A = arith.constant 15 : i32
      %swap3A_265 = arith.index_cast %swap3A : i32 to index
      %swap3A_266 = arith.index_cast %multiple_of3A_260 : i32 to index
      %swap3A_267 = tpu.vector_load %arg6[%swap3A_265, %swap3A_266] {strides = array<i32>} : memref<25x2048xf32, #tpu.memory_space<vmem>>, vector<1x16xf32>,
      %swap3A_268 = vector.shape_cast %swap3A_267 : vector<1x16xf32> to vector<16xf32>
      %swap3A_269 = vector.shape_cast %get3A_264 : vector<16xf32> to vector<1x16xf32>
      tpu.vector_store %arg6[%swap3A_265, %swap3A_266], %swap3A_269 {strides = array<i32>} : memref<25x2048xf32, #tpu.memory_space<vmem>>, vector<1x16xf32>,
      %get3A_270 = arith.constant 5 : i32
      %get3A_271 = arith.index_cast %get3A_270 : i32 to index
      %get3A_272 = arith.index_cast %multiple_of3A_260 : i32 to index
      %get3A_273 = tpu.vector_load %arg5[%get3A_271, %get3A_272] {strides = array<i32>} : memref<16x2048xf32, #tpu.memory_space<vmem>>, vector<1x16xf32>,
      %get3A_274 = vector.shape_cast %get3A_273 : vector<1x16xf32> to vector<16xf32>
      %swap3A_275 = arith.constant 16 : i32
      %swap3A_276 = arith.index_cast %swap3A_275 : i32 to index
      %swap3A_277 = arith.index_cast %multiple_of3A_260 : i32 to index
      %swap3A_278 = tpu.vector_load %arg6[%swap3A_276, %swap3A_277] {strides = array<i32>} : memref<25x2048xf32, #tpu.memory_space<vmem>>, vector<1x16xf32>,
      %swap3A_279 = vector.shape_cast %swap3A_278 : vector<1x16xf32> to vector<16xf32>
      %swap3A_280 = vector.shape_cast %get3A_274 : vector<16xf32> to vector<1x16xf32>
      tpu.vector_store %arg6[%swap3A_276, %swap3A_277], %swap3A_280 {strides = array<i32>} : memref<25x2048xf32, #tpu.memory_space<vmem>>, vector<1x16xf32>,
      %get3A_281 = arith.constant 6 : i32
      %get3A_282 = arith.index_cast %get3A_281 : i32 to index
      %get3A_283 = arith.index_cast %multiple_of3A_260 : i32 to index
      %get3A_284 = tpu.vector_load %arg5[%get3A_282, %get3A_283] {strides = array<i32>} : memref<16x2048xf32, #tpu.memory_space<vmem>>, vector<1x16xf32>,
      %get3A_285 = vector.shape_cast %get3A_284 : vector<1x16xf32> to vector<16xf32>
      %swap3A_286 = arith.constant 17 : i32
      %swap3A_287 = arith.index_cast %swap3A_286 : i32 to index
      %swap3A_288 = arith.index_cast %multiple_of3A_260 : i32 to index
      %swap3A_289 = tpu.vector_load %arg6[%swap3A_287, %swap3A_288] {strides = array<i32>} : memref<25x2048xf32, #tpu.memory_space<vmem>>, vector<1x16xf32>,
      %swap3A_290 = vector.shape_cast %swap3A_289 : vector<1x16xf32> to vector<16xf32>
      %swap3A_291 = vector.shape_cast %get3A_285 : vector<16xf32> to vector<1x16xf32>
      tpu.vector_store %arg6[%swap3A_287, %swap3A_288], %swap3A_291 {strides = array<i32>} : memref<25x2048xf32, #tpu.memory_space<vmem>>, vector<1x16xf32>,
      %get3A_292 = arith.constant 7 : i32
      %get3A_293 = arith.index_cast %get3A_292 : i32 to index
      %get3A_294 = arith.index_cast %multiple_of3A_260 : i32 to index
      %get3A_295 = tpu.vector_load %arg5[%get3A_293, %get3A_294] {strides = array<i32>} : memref<16x2048xf32, #tpu.memory_space<vmem>>, vector<1x16xf32>,
      %get3A_296 = vector.shape_cast %get3A_295 : vector<1x16xf32> to vector<16xf32>
      %swap3A_297 = arith.constant 18 : i32
      %swap3A_298 = arith.index_cast %swap3A_297 : i32 to index
      %swap3A_299 = arith.index_cast %multiple_of3A_260 : i32 to index
      %swap3A_300 = tpu.vector_load %arg6[%swap3A_298, %swap3A_299] {strides = array<i32>} : memref<25x2048xf32, #tpu.memory_space<vmem>>, vector<1x16xf32>,
      %swap3A_301 = vector.shape_cast %swap3A_300 : vector<1x16xf32> to vector<16xf32>
      %swap3A_302 = vector.shape_cast %get3A_296 : vector<16xf32> to vector<1x16xf32>
      tpu.vector_store %arg6[%swap3A_298, %swap3A_299], %swap3A_302 {strides = array<i32>} : memref<25x2048xf32, #tpu.memory_space<vmem>>, vector<1x16xf32>,
      %get3A_303 = arith.constant 8 : i32
      %get3A_304 = arith.index_cast %get3A_303 : i32 to index
      %get3A_305 = arith.index_cast %multiple_of3A_260 : i32 to index
      %get3A_306 = tpu.vector_load %arg5[%get3A_304, %get3A_305] {strides = array<i32>} : memref<16x2048xf32, #tpu.memory_space<vmem>>, vector<1x16xf32>,
      %get3A_307 = vector.shape_cast %get3A_306 : vector<1x16xf32> to vector<16xf32>
      %swap3A_308 = arith.constant 19 : i32
      %swap3A_309 = arith.index_cast %swap3A_308 : i32 to index
      %swap3A_310 = arith.index_cast %multiple_of3A_260 : i32 to index
      %swap3A_311 = tpu.vector_load %arg6[%swap3A_309, %swap3A_310] {strides = array<i32>} : memref<25x2048xf32, #tpu.memory_space<vmem>>, vector<1x16xf32>,
      %swap3A_312 = vector.shape_cast %swap3A_311 : vector<1x16xf32> to vector<16xf32>
      %swap3A_313 = vector.shape_cast %get3A_307 : vector<16xf32> to vector<1x16xf32>
      tpu.vector_store %arg6[%swap3A_309, %swap3A_310], %swap3A_313 {strides = array<i32>} : memref<25x2048xf32, #tpu.memory_space<vmem>>, vector<1x16xf32>,
      %scan3A_314 = arith.constant 0 : i32
      scf.yield %scan3A_314 : i32
    }
    %scan3A_98 = arith.constant 128 : i32
    %dma_wait3A_99 = arith.constant 0 : i32
    %dma_wait3A_100 = tpu.memref_slice %arg2[%multiple_of3A_37, %dma_wait3A_99] : memref<6400x2048xf32, #tpu.memory_space<hbm>> -> memref<16x2048xf32, #tpu.memory_space<hbm>>
    %dma_wait3A_101 = arith.constant 0 : i32
    %dma_wait3A_102 = tpu.memref_slice %arg2[%multiple_of3A_37, %dma_wait3A_101] : memref<6400x2048xf32, #tpu.memory_space<hbm>> -> memref<16x2048xf32, #tpu.memory_space<hbm>>
    tpu.wait_dma2 semaphore(%arg7 : memref<!tpu.dma_semaphore, #tpu.memory_space<semaphore_mem>>) src(%dma_wait3A_102 : memref<16x2048xf32, #tpu.memory_space<hbm>>) dst(%arg4 : memref<16x2048xf32, #tpu.memory_space<vmem>>)
    %scan3A_103 = arith.constant 0 : i32
    %scan3A_104 = arith.constant 0 : i32
    %scan3A_105 = arith.constant 128 : i32
    %scan3A_106 = arith.addi %scan3A_104, %scan3A_105 : i32
    %scan3A_107 = arith.constant 1 : i32
    %scan3A_108 = scf.for %scan3A_256 = %scan3A_104 to %scan3A_106 step %scan3A_107 iter_args(%scan3A_257 = %scan3A_103) -> (i32)  : i32 {
      %mul3A_258 = arith.constant 16 : i32
      %mul3A_259 = arith.muli %scan3A_256, %mul3A_258 : i32
      %multiple_of3A_260 = tpu.assume_multiple %mul3A_259, 16 : i32
      %get3A = arith.constant 0 : i32
      %get3A_261 = arith.index_cast %get3A : i32 to index
      %get3A_262 = arith.index_cast %multiple_of3A_260 : i32 to index
      %get3A_263 = tpu.vector_load %arg4[%get3A_261, %get3A_262] {strides = array<i32>} : memref<16x2048xf32, #tpu.memory_space<vmem>>, vector<1x16xf32>,
      %get3A_264 = vector.shape_cast %get3A_263 : vector<1x16xf32> to vector<16xf32>
      %swap3A = arith.constant 20 : i32
      %swap3A_265 = arith.index_cast %swap3A : i32 to index
      %swap3A_266 = arith.index_cast %multiple_of3A_260 : i32 to index
      %swap3A_267 = tpu.vector_load %arg6[%swap3A_265, %swap3A_266] {strides = array<i32>} : memref<25x2048xf32, #tpu.memory_space<vmem>>, vector<1x16xf32>,
      %swap3A_268 = vector.shape_cast %swap3A_267 : vector<1x16xf32> to vector<16xf32>
      %swap3A_269 = vector.shape_cast %get3A_264 : vector<16xf32> to vector<1x16xf32>
      tpu.vector_store %arg6[%swap3A_265, %swap3A_266], %swap3A_269 {strides = array<i32>} : memref<25x2048xf32, #tpu.memory_space<vmem>>, vector<1x16xf32>,
      %get3A_270 = arith.constant 1 : i32
      %get3A_271 = arith.index_cast %get3A_270 : i32 to index
      %get3A_272 = arith.index_cast %multiple_of3A_260 : i32 to index
      %get3A_273 = tpu.vector_load %arg4[%get3A_271, %get3A_272] {strides = array<i32>} : memref<16x2048xf32, #tpu.memory_space<vmem>>, vector<1x16xf32>,
      %get3A_274 = vector.shape_cast %get3A_273 : vector<1x16xf32> to vector<16xf32>
      %swap3A_275 = arith.constant 21 : i32
      %swap3A_276 = arith.index_cast %swap3A_275 : i32 to index
      %swap3A_277 = arith.index_cast %multiple_of3A_260 : i32 to index
      %swap3A_278 = tpu.vector_load %arg6[%swap3A_276, %swap3A_277] {strides = array<i32>} : memref<25x2048xf32, #tpu.memory_space<vmem>>, vector<1x16xf32>,
      %swap3A_279 = vector.shape_cast %swap3A_278 : vector<1x16xf32> to vector<16xf32>
      %swap3A_280 = vector.shape_cast %get3A_274 : vector<16xf32> to vector<1x16xf32>
      tpu.vector_store %arg6[%swap3A_276, %swap3A_277], %swap3A_280 {strides = array<i32>} : memref<25x2048xf32, #tpu.memory_space<vmem>>, vector<1x16xf32>,
      %get3A_281 = arith.constant 2 : i32
      %get3A_282 = arith.index_cast %get3A_281 : i32 to index
      %get3A_283 = arith.index_cast %multiple_of3A_260 : i32 to index
      %get3A_284 = tpu.vector_load %arg4[%get3A_282, %get3A_283] {strides = array<i32>} : memref<16x2048xf32, #tpu.memory_space<vmem>>, vector<1x16xf32>,
      %get3A_285 = vector.shape_cast %get3A_284 : vector<1x16xf32> to vector<16xf32>
      %swap3A_286 = arith.constant 22 : i32
      %swap3A_287 = arith.index_cast %swap3A_286 : i32 to index
      %swap3A_288 = arith.index_cast %multiple_of3A_260 : i32 to index
      %swap3A_289 = tpu.vector_load %arg6[%swap3A_287, %swap3A_288] {strides = array<i32>} : memref<25x2048xf32, #tpu.memory_space<vmem>>, vector<1x16xf32>,
      %swap3A_290 = vector.shape_cast %swap3A_289 : vector<1x16xf32> to vector<16xf32>
      %swap3A_291 = vector.shape_cast %get3A_285 : vector<16xf32> to vector<1x16xf32>
      tpu.vector_store %arg6[%swap3A_287, %swap3A_288], %swap3A_291 {strides = array<i32>} : memref<25x2048xf32, #tpu.memory_space<vmem>>, vector<1x16xf32>,
      %get3A_292 = arith.constant 3 : i32
      %get3A_293 = arith.index_cast %get3A_292 : i32 to index
      %get3A_294 = arith.index_cast %multiple_of3A_260 : i32 to index
      %get3A_295 = tpu.vector_load %arg4[%get3A_293, %get3A_294] {strides = array<i32>} : memref<16x2048xf32, #tpu.memory_space<vmem>>, vector<1x16xf32>,
      %get3A_296 = vector.shape_cast %get3A_295 : vector<1x16xf32> to vector<16xf32>
      %swap3A_297 = arith.constant 23 : i32
      %swap3A_298 = arith.index_cast %swap3A_297 : i32 to index
      %swap3A_299 = arith.index_cast %multiple_of3A_260 : i32 to index
      %swap3A_300 = tpu.vector_load %arg6[%swap3A_298, %swap3A_299] {strides = array<i32>} : memref<25x2048xf32, #tpu.memory_space<vmem>>, vector<1x16xf32>,
      %swap3A_301 = vector.shape_cast %swap3A_300 : vector<1x16xf32> to vector<16xf32>
      %swap3A_302 = vector.shape_cast %get3A_296 : vector<16xf32> to vector<1x16xf32>
      tpu.vector_store %arg6[%swap3A_298, %swap3A_299], %swap3A_302 {strides = array<i32>} : memref<25x2048xf32, #tpu.memory_space<vmem>>, vector<1x16xf32>,
      %get3A_303 = arith.constant 4 : i32
      %get3A_304 = arith.index_cast %get3A_303 : i32 to index
      %get3A_305 = arith.index_cast %multiple_of3A_260 : i32 to index
      %get3A_306 = tpu.vector_load %arg4[%get3A_304, %get3A_305] {strides = array<i32>} : memref<16x2048xf32, #tpu.memory_space<vmem>>, vector<1x16xf32>,
      %get3A_307 = vector.shape_cast %get3A_306 : vector<1x16xf32> to vector<16xf32>
      %swap3A_308 = arith.constant 24 : i32
      %swap3A_309 = arith.index_cast %swap3A_308 : i32 to index
      %swap3A_310 = arith.index_cast %multiple_of3A_260 : i32 to index
      %swap3A_311 = tpu.vector_load %arg6[%swap3A_309, %swap3A_310] {strides = array<i32>} : memref<25x2048xf32, #tpu.memory_space<vmem>>, vector<1x16xf32>,
      %swap3A_312 = vector.shape_cast %swap3A_311 : vector<1x16xf32> to vector<16xf32>
      %swap3A_313 = vector.shape_cast %get3A_307 : vector<16xf32> to vector<1x16xf32>
      tpu.vector_store %arg6[%swap3A_309, %swap3A_310], %swap3A_313 {strides = array<i32>} : memref<25x2048xf32, #tpu.memory_space<vmem>>, vector<1x16xf32>,
      %scan3A_314 = arith.constant 0 : i32
      scf.yield %scan3A_314 : i32
    }
    %scan3A_109 = arith.constant 128 : i32
    %dma_start3A_110 = arith.constant 0 : i32
    %dma_start3A_111 = arith.constant 0 : i32
    %dma_start3A_112 = tpu.memref_slice %arg3[%add3A_4, %dma_start3A_110, %dma_start3A_111] : memref<64x25x2048xf32, #tpu.memory_space<hbm>> -> memref<1x25x2048xf32, #tpu.memory_space<hbm>>
    %dma_start3A_113 = tpu.memref_squeeze %dma_start3A_112 : memref<1x25x2048xf32, #tpu.memory_space<hbm>> -> memref<25x2048xf32, #tpu.memory_space<hbm>>
    %dma_start3A_114 = arith.constant 0 : i32
    %dma_start3A_115 = arith.constant 0 : i32
    %dma_start3A_116 = tpu.memref_slice %arg3[%add3A_4, %dma_start3A_114, %dma_start3A_115] : memref<64x25x2048xf32, #tpu.memory_space<hbm>> -> memref<1x25x2048xf32, #tpu.memory_space<hbm>>
    %dma_start3A_117 = tpu.memref_squeeze %dma_start3A_116 : memref<1x25x2048xf32, #tpu.memory_space<hbm>> -> memref<25x2048xf32, #tpu.memory_space<hbm>>
    tpu.enqueue_dma source(%arg6 : memref<25x2048xf32, #tpu.memory_space<vmem>>) target(%dma_start3A_117 : memref<25x2048xf32, #tpu.memory_space<hbm>>) target_semaphore(%arg9 : memref<!tpu.dma_semaphore, #tpu.memory_space<semaphore_mem>>)
    %mul3A_118 = arith.constant 2 : i32
    %mul3A_119 = arith.muli %add3A, %mul3A_118 : i32
    %add3A_120 = arith.constant 1 : i32
    %add3A_121 = arith.addi %mul3A_119, %add3A_120 : i32
    %mul3A_122 = arith.constant 100 : i32
    %mul3A_123 = arith.muli %add3A_121, %mul3A_122 : i32
    %add3A_124 = arith.constant 0 : i32
    %add3A_125 = arith.addi %mul3A_123, %add3A_124 : i32
    %sub3A_126 = arith.constant 4 : i32
    %sub3A_127 = arith.subi %add3A_125, %sub3A_126 : i32
    %multiple_of3A_128 = tpu.assume_multiple %sub3A_127, 8 : i32
    %mul3A_129 = arith.constant 100 : i32
    %mul3A_130 = arith.muli %add3A_121, %mul3A_129 : i32
    %add3A_131 = arith.constant 20 : i32
    %add3A_132 = arith.addi %mul3A_130, %add3A_131 : i32
    %sub3A_133 = arith.constant 0 : i32
    %sub3A_134 = arith.subi %add3A_132, %sub3A_133 : i32
    %multiple_of3A_135 = tpu.assume_multiple %sub3A_134, 8 : i32
    %mul3A_136 = arith.constant 100 : i32
    %mul3A_137 = arith.muli %add3A_121, %mul3A_136 : i32
    %add3A_138 = arith.constant 40 : i32
    %add3A_139 = arith.addi %mul3A_137, %add3A_138 : i32
    %sub3A_140 = arith.constant 4 : i32
    %sub3A_141 = arith.subi %add3A_139, %sub3A_140 : i32
    %multiple_of3A_142 = tpu.assume_multiple %sub3A_141, 8 : i32
    %mul3A_143 = arith.constant 100 : i32
    %mul3A_144 = arith.muli %add3A_121, %mul3A_143 : i32
    %add3A_145 = arith.constant 60 : i32
    %add3A_146 = arith.addi %mul3A_144, %add3A_145 : i32
    %sub3A_147 = arith.constant 0 : i32
    %sub3A_148 = arith.subi %add3A_146, %sub3A_147 : i32
    %multiple_of3A_149 = tpu.assume_multiple %sub3A_148, 8 : i32
    %mul3A_150 = arith.constant 100 : i32
    %mul3A_151 = arith.muli %add3A_121, %mul3A_150 : i32
    %add3A_152 = arith.constant 80 : i32
    %add3A_153 = arith.addi %mul3A_151, %add3A_152 : i32
    %sub3A_154 = arith.constant 4 : i32
    %sub3A_155 = arith.subi %add3A_153, %sub3A_154 : i32
    %multiple_of3A_156 = tpu.assume_multiple %sub3A_155, 8 : i32
    %dma_start3A_157 = arith.constant 0 : i32
    %dma_start3A_158 = tpu.memref_slice %arg2[%multiple_of3A_128, %dma_start3A_157] : memref<6400x2048xf32, #tpu.memory_space<hbm>> -> memref<16x2048xf32, #tpu.memory_space<hbm>>
    %dma_start3A_159 = arith.constant 0 : i32
    %dma_start3A_160 = tpu.memref_slice %arg2[%multiple_of3A_128, %dma_start3A_159] : memref<6400x2048xf32, #tpu.memory_space<hbm>> -> memref<16x2048xf32, #tpu.memory_space<hbm>>
    tpu.enqueue_dma source(%dma_start3A_160 : memref<16x2048xf32, #tpu.memory_space<hbm>>) target(%arg4 : memref<16x2048xf32, #tpu.memory_space<vmem>>) target_semaphore(%arg7 : memref<!tpu.dma_semaphore, #tpu.memory_space<semaphore_mem>>)
    %dma_start3A_161 = arith.constant 0 : i32
    %dma_start3A_162 = tpu.memref_slice %arg2[%multiple_of3A_135, %dma_start3A_161] : memref<6400x2048xf32, #tpu.memory_space<hbm>> -> memref<16x2048xf32, #tpu.memory_space<hbm>>
    %dma_start3A_163 = arith.constant 0 : i32
    %dma_start3A_164 = tpu.memref_slice %arg2[%multiple_of3A_135, %dma_start3A_163] : memref<6400x2048xf32, #tpu.memory_space<hbm>> -> memref<16x2048xf32, #tpu.memory_space<hbm>>
    tpu.enqueue_dma source(%dma_start3A_164 : memref<16x2048xf32, #tpu.memory_space<hbm>>) target(%arg5 : memref<16x2048xf32, #tpu.memory_space<vmem>>) target_semaphore(%arg7 : memref<!tpu.dma_semaphore, #tpu.memory_space<semaphore_mem>>)
    %dma_wait3A_165 = arith.constant 0 : i32
    %dma_wait3A_166 = tpu.memref_slice %arg2[%multiple_of3A_128, %dma_wait3A_165] : memref<6400x2048xf32, #tpu.memory_space<hbm>> -> memref<16x2048xf32, #tpu.memory_space<hbm>>
    %dma_wait3A_167 = arith.constant 0 : i32
    %dma_wait3A_168 = tpu.memref_slice %arg2[%multiple_of3A_128, %dma_wait3A_167] : memref<6400x2048xf32, #tpu.memory_space<hbm>> -> memref<16x2048xf32, #tpu.memory_space<hbm>>
    tpu.wait_dma2 semaphore(%arg7 : memref<!tpu.dma_semaphore, #tpu.memory_space<semaphore_mem>>) src(%dma_wait3A_168 : memref<16x2048xf32, #tpu.memory_space<hbm>>) dst(%arg4 : memref<16x2048xf32, #tpu.memory_space<vmem>>)
    %scan3A_169 = arith.constant 0 : i32
    %scan3A_170 = arith.constant 0 : i32
    %scan3A_171 = arith.constant 128 : i32
    %scan3A_172 = arith.addi %scan3A_170, %scan3A_171 : i32
    %scan3A_173 = arith.constant 1 : i32
    %scan3A_174 = scf.for %scan3A_256 = %scan3A_170 to %scan3A_172 step %scan3A_173 iter_args(%scan3A_257 = %scan3A_169) -> (i32)  : i32 {
      %mul3A_258 = arith.constant 16 : i32
      %mul3A_259 = arith.muli %scan3A_256, %mul3A_258 : i32
      %multiple_of3A_260 = tpu.assume_multiple %mul3A_259, 16 : i32
      %get3A = arith.constant 4 : i32
      %get3A_261 = arith.index_cast %get3A : i32 to index
      %get3A_262 = arith.index_cast %multiple_of3A_260 : i32 to index
      %get3A_263 = tpu.vector_load %arg4[%get3A_261, %get3A_262] {strides = array<i32>} : memref<16x2048xf32, #tpu.memory_space<vmem>>, vector<1x16xf32>,
      %get3A_264 = vector.shape_cast %get3A_263 : vector<1x16xf32> to vector<16xf32>
      %swap3A = arith.constant 0 : i32
      %swap3A_265 = arith.index_cast %swap3A : i32 to index
      %swap3A_266 = arith.index_cast %multiple_of3A_260 : i32 to index
      %swap3A_267 = tpu.vector_load %arg6[%swap3A_265, %swap3A_266] {strides = array<i32>} : memref<25x2048xf32, #tpu.memory_space<vmem>>, vector<1x16xf32>,
      %swap3A_268 = vector.shape_cast %swap3A_267 : vector<1x16xf32> to vector<16xf32>
      %swap3A_269 = vector.shape_cast %get3A_264 : vector<16xf32> to vector<1x16xf32>
      tpu.vector_store %arg6[%swap3A_265, %swap3A_266], %swap3A_269 {strides = array<i32>} : memref<25x2048xf32, #tpu.memory_space<vmem>>, vector<1x16xf32>,
      %get3A_270 = arith.constant 5 : i32
      %get3A_271 = arith.index_cast %get3A_270 : i32 to index
      %get3A_272 = arith.index_cast %multiple_of3A_260 : i32 to index
      %get3A_273 = tpu.vector_load %arg4[%get3A_271, %get3A_272] {strides = array<i32>} : memref<16x2048xf32, #tpu.memory_space<vmem>>, vector<1x16xf32>,
      %get3A_274 = vector.shape_cast %get3A_273 : vector<1x16xf32> to vector<16xf32>
      %swap3A_275 = arith.constant 1 : i32
      %swap3A_276 = arith.index_cast %swap3A_275 : i32 to index
      %swap3A_277 = arith.index_cast %multiple_of3A_260 : i32 to index
      %swap3A_278 = tpu.vector_load %arg6[%swap3A_276, %swap3A_277] {strides = array<i32>} : memref<25x2048xf32, #tpu.memory_space<vmem>>, vector<1x16xf32>,
      %swap3A_279 = vector.shape_cast %swap3A_278 : vector<1x16xf32> to vector<16xf32>
      %swap3A_280 = vector.shape_cast %get3A_274 : vector<16xf32> to vector<1x16xf32>
      tpu.vector_store %arg6[%swap3A_276, %swap3A_277], %swap3A_280 {strides = array<i32>} : memref<25x2048xf32, #tpu.memory_space<vmem>>, vector<1x16xf32>,
      %get3A_281 = arith.constant 6 : i32
      %get3A_282 = arith.index_cast %get3A_281 : i32 to index
      %get3A_283 = arith.index_cast %multiple_of3A_260 : i32 to index
      %get3A_284 = tpu.vector_load %arg4[%get3A_282, %get3A_283] {strides = array<i32>} : memref<16x2048xf32, #tpu.memory_space<vmem>>, vector<1x16xf32>,
      %get3A_285 = vector.shape_cast %get3A_284 : vector<1x16xf32> to vector<16xf32>
      %swap3A_286 = arith.constant 2 : i32
      %swap3A_287 = arith.index_cast %swap3A_286 : i32 to index
      %swap3A_288 = arith.index_cast %multiple_of3A_260 : i32 to index
      %swap3A_289 = tpu.vector_load %arg6[%swap3A_287, %swap3A_288] {strides = array<i32>} : memref<25x2048xf32, #tpu.memory_space<vmem>>, vector<1x16xf32>,
      %swap3A_290 = vector.shape_cast %swap3A_289 : vector<1x16xf32> to vector<16xf32>
      %swap3A_291 = vector.shape_cast %get3A_285 : vector<16xf32> to vector<1x16xf32>
      tpu.vector_store %arg6[%swap3A_287, %swap3A_288], %swap3A_291 {strides = array<i32>} : memref<25x2048xf32, #tpu.memory_space<vmem>>, vector<1x16xf32>,
      %get3A_292 = arith.constant 7 : i32
      %get3A_293 = arith.index_cast %get3A_292 : i32 to index
      %get3A_294 = arith.index_cast %multiple_of3A_260 : i32 to index
      %get3A_295 = tpu.vector_load %arg4[%get3A_293, %get3A_294] {strides = array<i32>} : memref<16x2048xf32, #tpu.memory_space<vmem>>, vector<1x16xf32>,
      %get3A_296 = vector.shape_cast %get3A_295 : vector<1x16xf32> to vector<16xf32>
      %swap3A_297 = arith.constant 3 : i32
      %swap3A_298 = arith.index_cast %swap3A_297 : i32 to index
      %swap3A_299 = arith.index_cast %multiple_of3A_260 : i32 to index
      %swap3A_300 = tpu.vector_load %arg6[%swap3A_298, %swap3A_299] {strides = array<i32>} : memref<25x2048xf32, #tpu.memory_space<vmem>>, vector<1x16xf32>,
      %swap3A_301 = vector.shape_cast %swap3A_300 : vector<1x16xf32> to vector<16xf32>
      %swap3A_302 = vector.shape_cast %get3A_296 : vector<16xf32> to vector<1x16xf32>
      tpu.vector_store %arg6[%swap3A_298, %swap3A_299], %swap3A_302 {strides = array<i32>} : memref<25x2048xf32, #tpu.memory_space<vmem>>, vector<1x16xf32>,
      %get3A_303 = arith.constant 8 : i32
      %get3A_304 = arith.index_cast %get3A_303 : i32 to index
      %get3A_305 = arith.index_cast %multiple_of3A_260 : i32 to index
      %get3A_306 = tpu.vector_load %arg4[%get3A_304, %get3A_305] {strides = array<i32>} : memref<16x2048xf32, #tpu.memory_space<vmem>>, vector<1x16xf32>,
      %get3A_307 = vector.shape_cast %get3A_306 : vector<1x16xf32> to vector<16xf32>
      %swap3A_308 = arith.constant 4 : i32
      %swap3A_309 = arith.index_cast %swap3A_308 : i32 to index
      %swap3A_310 = arith.index_cast %multiple_of3A_260 : i32 to index
      %swap3A_311 = tpu.vector_load %arg6[%swap3A_309, %swap3A_310] {strides = array<i32>} : memref<25x2048xf32, #tpu.memory_space<vmem>>, vector<1x16xf32>,
      %swap3A_312 = vector.shape_cast %swap3A_311 : vector<1x16xf32> to vector<16xf32>
      %swap3A_313 = vector.shape_cast %get3A_307 : vector<16xf32> to vector<1x16xf32>
      tpu.vector_store %arg6[%swap3A_309, %swap3A_310], %swap3A_313 {strides = array<i32>} : memref<25x2048xf32, #tpu.memory_space<vmem>>, vector<1x16xf32>,
      %scan3A_314 = arith.constant 0 : i32
      scf.yield %scan3A_314 : i32
    }
    %scan3A_175 = arith.constant 128 : i32
    %dma_start3A_176 = arith.constant 0 : i32
    %dma_start3A_177 = tpu.memref_slice %arg2[%multiple_of3A_142, %dma_start3A_176] : memref<6400x2048xf32, #tpu.memory_space<hbm>> -> memref<16x2048xf32, #tpu.memory_space<hbm>>
    %dma_start3A_178 = arith.constant 0 : i32
    %dma_start3A_179 = tpu.memref_slice %arg2[%multiple_of3A_142, %dma_start3A_178] : memref<6400x2048xf32, #tpu.memory_space<hbm>> -> memref<16x2048xf32, #tpu.memory_space<hbm>>
    tpu.enqueue_dma source(%dma_start3A_179 : memref<16x2048xf32, #tpu.memory_space<hbm>>) target(%arg4 : memref<16x2048xf32, #tpu.memory_space<vmem>>) target_semaphore(%arg7 : memref<!tpu.dma_semaphore, #tpu.memory_space<semaphore_mem>>)
    %dma_wait3A_180 = arith.constant 0 : i32
    %dma_wait3A_181 = tpu.memref_slice %arg2[%multiple_of3A_135, %dma_wait3A_180] : memref<6400x2048xf32, #tpu.memory_space<hbm>> -> memref<16x2048xf32, #tpu.memory_space<hbm>>
    %dma_wait3A_182 = arith.constant 0 : i32
    %dma_wait3A_183 = tpu.memref_slice %arg2[%multiple_of3A_135, %dma_wait3A_182] : memref<6400x2048xf32, #tpu.memory_space<hbm>> -> memref<16x2048xf32, #tpu.memory_space<hbm>>
    tpu.wait_dma2 semaphore(%arg7 : memref<!tpu.dma_semaphore, #tpu.memory_space<semaphore_mem>>) src(%dma_wait3A_183 : memref<16x2048xf32, #tpu.memory_space<hbm>>) dst(%arg5 : memref<16x2048xf32, #tpu.memory_space<vmem>>)
    %scan3A_184 = arith.constant 0 : i32
    %scan3A_185 = arith.constant 0 : i32
    %scan3A_186 = arith.constant 128 : i32
    %scan3A_187 = arith.addi %scan3A_185, %scan3A_186 : i32
    %scan3A_188 = arith.constant 1 : i32
    %scan3A_189 = scf.for %scan3A_256 = %scan3A_185 to %scan3A_187 step %scan3A_188 iter_args(%scan3A_257 = %scan3A_184) -> (i32)  : i32 {
      %mul3A_258 = arith.constant 16 : i32
      %mul3A_259 = arith.muli %scan3A_256, %mul3A_258 : i32
      %multiple_of3A_260 = tpu.assume_multiple %mul3A_259, 16 : i32
      %get3A = arith.constant 0 : i32
      %get3A_261 = arith.index_cast %get3A : i32 to index
      %get3A_262 = arith.index_cast %multiple_of3A_260 : i32 to index
      %get3A_263 = tpu.vector_load %arg5[%get3A_261, %get3A_262] {strides = array<i32>} : memref<16x2048xf32, #tpu.memory_space<vmem>>, vector<1x16xf32>,
      %get3A_264 = vector.shape_cast %get3A_263 : vector<1x16xf32> to vector<16xf32>
      %swap3A = arith.constant 5 : i32
      %swap3A_265 = arith.index_cast %swap3A : i32 to index
      %swap3A_266 = arith.index_cast %multiple_of3A_260 : i32 to index
      %swap3A_267 = tpu.vector_load %arg6[%swap3A_265, %swap3A_266] {strides = array<i32>} : memref<25x2048xf32, #tpu.memory_space<vmem>>, vector<1x16xf32>,
      %swap3A_268 = vector.shape_cast %swap3A_267 : vector<1x16xf32> to vector<16xf32>
      %swap3A_269 = vector.shape_cast %get3A_264 : vector<16xf32> to vector<1x16xf32>
      tpu.vector_store %arg6[%swap3A_265, %swap3A_266], %swap3A_269 {strides = array<i32>} : memref<25x2048xf32, #tpu.memory_space<vmem>>, vector<1x16xf32>,
      %get3A_270 = arith.constant 1 : i32
      %get3A_271 = arith.index_cast %get3A_270 : i32 to index
      %get3A_272 = arith.index_cast %multiple_of3A_260 : i32 to index
      %get3A_273 = tpu.vector_load %arg5[%get3A_271, %get3A_272] {strides = array<i32>} : memref<16x2048xf32, #tpu.memory_space<vmem>>, vector<1x16xf32>,
      %get3A_274 = vector.shape_cast %get3A_273 : vector<1x16xf32> to vector<16xf32>
      %swap3A_275 = arith.constant 6 : i32
      %swap3A_276 = arith.index_cast %swap3A_275 : i32 to index
      %swap3A_277 = arith.index_cast %multiple_of3A_260 : i32 to index
      %swap3A_278 = tpu.vector_load %arg6[%swap3A_276, %swap3A_277] {strides = array<i32>} : memref<25x2048xf32, #tpu.memory_space<vmem>>, vector<1x16xf32>,
      %swap3A_279 = vector.shape_cast %swap3A_278 : vector<1x16xf32> to vector<16xf32>
      %swap3A_280 = vector.shape_cast %get3A_274 : vector<16xf32> to vector<1x16xf32>
      tpu.vector_store %arg6[%swap3A_276, %swap3A_277], %swap3A_280 {strides = array<i32>} : memref<25x2048xf32, #tpu.memory_space<vmem>>, vector<1x16xf32>,
      %get3A_281 = arith.constant 2 : i32
      %get3A_282 = arith.index_cast %get3A_281 : i32 to index
      %get3A_283 = arith.index_cast %multiple_of3A_260 : i32 to index
      %get3A_284 = tpu.vector_load %arg5[%get3A_282, %get3A_283] {strides = array<i32>} : memref<16x2048xf32, #tpu.memory_space<vmem>>, vector<1x16xf32>,
      %get3A_285 = vector.shape_cast %get3A_284 : vector<1x16xf32> to vector<16xf32>
      %swap3A_286 = arith.constant 7 : i32
      %swap3A_287 = arith.index_cast %swap3A_286 : i32 to index
      %swap3A_288 = arith.index_cast %multiple_of3A_260 : i32 to index
      %swap3A_289 = tpu.vector_load %arg6[%swap3A_287, %swap3A_288] {strides = array<i32>} : memref<25x2048xf32, #tpu.memory_space<vmem>>, vector<1x16xf32>,
      %swap3A_290 = vector.shape_cast %swap3A_289 : vector<1x16xf32> to vector<16xf32>
      %swap3A_291 = vector.shape_cast %get3A_285 : vector<16xf32> to vector<1x16xf32>
      tpu.vector_store %arg6[%swap3A_287, %swap3A_288], %swap3A_291 {strides = array<i32>} : memref<25x2048xf32, #tpu.memory_space<vmem>>, vector<1x16xf32>,
      %get3A_292 = arith.constant 3 : i32
      %get3A_293 = arith.index_cast %get3A_292 : i32 to index
      %get3A_294 = arith.index_cast %multiple_of3A_260 : i32 to index
      %get3A_295 = tpu.vector_load %arg5[%get3A_293, %get3A_294] {strides = array<i32>} : memref<16x2048xf32, #tpu.memory_space<vmem>>, vector<1x16xf32>,
      %get3A_296 = vector.shape_cast %get3A_295 : vector<1x16xf32> to vector<16xf32>
      %swap3A_297 = arith.constant 8 : i32
      %swap3A_298 = arith.index_cast %swap3A_297 : i32 to index
      %swap3A_299 = arith.index_cast %multiple_of3A_260 : i32 to index
      %swap3A_300 = tpu.vector_load %arg6[%swap3A_298, %swap3A_299] {strides = array<i32>} : memref<25x2048xf32, #tpu.memory_space<vmem>>, vector<1x16xf32>,
      %swap3A_301 = vector.shape_cast %swap3A_300 : vector<1x16xf32> to vector<16xf32>
      %swap3A_302 = vector.shape_cast %get3A_296 : vector<16xf32> to vector<1x16xf32>
      tpu.vector_store %arg6[%swap3A_298, %swap3A_299], %swap3A_302 {strides = array<i32>} : memref<25x2048xf32, #tpu.memory_space<vmem>>, vector<1x16xf32>,
      %get3A_303 = arith.constant 4 : i32
      %get3A_304 = arith.index_cast %get3A_303 : i32 to index
      %get3A_305 = arith.index_cast %multiple_of3A_260 : i32 to index
      %get3A_306 = tpu.vector_load %arg5[%get3A_304, %get3A_305] {strides = array<i32>} : memref<16x2048xf32, #tpu.memory_space<vmem>>, vector<1x16xf32>,
      %get3A_307 = vector.shape_cast %get3A_306 : vector<1x16xf32> to vector<16xf32>
      %swap3A_308 = arith.constant 9 : i32
      %swap3A_309 = arith.index_cast %swap3A_308 : i32 to index
      %swap3A_310 = arith.index_cast %multiple_of3A_260 : i32 to index
      %swap3A_311 = tpu.vector_load %arg6[%swap3A_309, %swap3A_310] {strides = array<i32>} : memref<25x2048xf32, #tpu.memory_space<vmem>>, vector<1x16xf32>,
      %swap3A_312 = vector.shape_cast %swap3A_311 : vector<1x16xf32> to vector<16xf32>
      %swap3A_313 = vector.shape_cast %get3A_307 : vector<16xf32> to vector<1x16xf32>
      tpu.vector_store %arg6[%swap3A_309, %swap3A_310], %swap3A_313 {strides = array<i32>} : memref<25x2048xf32, #tpu.memory_space<vmem>>, vector<1x16xf32>,
      %scan3A_314 = arith.constant 0 : i32
      scf.yield %scan3A_314 : i32
    }
    %scan3A_190 = arith.constant 128 : i32
    %dma_start3A_191 = arith.constant 0 : i32
    %dma_start3A_192 = tpu.memref_slice %arg2[%multiple_of3A_149, %dma_start3A_191] : memref<6400x2048xf32, #tpu.memory_space<hbm>> -> memref<16x2048xf32, #tpu.memory_space<hbm>>
    %dma_start3A_193 = arith.constant 0 : i32
    %dma_start3A_194 = tpu.memref_slice %arg2[%multiple_of3A_149, %dma_start3A_193] : memref<6400x2048xf32, #tpu.memory_space<hbm>> -> memref<16x2048xf32, #tpu.memory_space<hbm>>
    tpu.enqueue_dma source(%dma_start3A_194 : memref<16x2048xf32, #tpu.memory_space<hbm>>) target(%arg5 : memref<16x2048xf32, #tpu.memory_space<vmem>>) target_semaphore(%arg7 : memref<!tpu.dma_semaphore, #tpu.memory_space<semaphore_mem>>)
    %dma_wait3A_195 = arith.constant 0 : i32
    %dma_wait3A_196 = tpu.memref_slice %arg2[%multiple_of3A_142, %dma_wait3A_195] : memref<6400x2048xf32, #tpu.memory_space<hbm>> -> memref<16x2048xf32, #tpu.memory_space<hbm>>
    %dma_wait3A_197 = arith.constant 0 : i32
    %dma_wait3A_198 = tpu.memref_slice %arg2[%multiple_of3A_142, %dma_wait3A_197] : memref<6400x2048xf32, #tpu.memory_space<hbm>> -> memref<16x2048xf32, #tpu.memory_space<hbm>>
    tpu.wait_dma2 semaphore(%arg7 : memref<!tpu.dma_semaphore, #tpu.memory_space<semaphore_mem>>) src(%dma_wait3A_198 : memref<16x2048xf32, #tpu.memory_space<hbm>>) dst(%arg4 : memref<16x2048xf32, #tpu.memory_space<vmem>>)
    %scan3A_199 = arith.constant 0 : i32
    %scan3A_200 = arith.constant 0 : i32
    %scan3A_201 = arith.constant 128 : i32
    %scan3A_202 = arith.addi %scan3A_200, %scan3A_201 : i32
    %scan3A_203 = arith.constant 1 : i32
    %scan3A_204 = scf.for %scan3A_256 = %scan3A_200 to %scan3A_202 step %scan3A_203 iter_args(%scan3A_257 = %scan3A_199) -> (i32)  : i32 {
      %mul3A_258 = arith.constant 16 : i32
      %mul3A_259 = arith.muli %scan3A_256, %mul3A_258 : i32
      %multiple_of3A_260 = tpu.assume_multiple %mul3A_259, 16 : i32
      %get3A = arith.constant 4 : i32
      %get3A_261 = arith.index_cast %get3A : i32 to index
      %get3A_262 = arith.index_cast %multiple_of3A_260 : i32 to index
      %get3A_263 = tpu.vector_load %arg4[%get3A_261, %get3A_262] {strides = array<i32>} : memref<16x2048xf32, #tpu.memory_space<vmem>>, vector<1x16xf32>,
      %get3A_264 = vector.shape_cast %get3A_263 : vector<1x16xf32> to vector<16xf32>
      %swap3A = arith.constant 10 : i32
      %swap3A_265 = arith.index_cast %swap3A : i32 to index
      %swap3A_266 = arith.index_cast %multiple_of3A_260 : i32 to index
      %swap3A_267 = tpu.vector_load %arg6[%swap3A_265, %swap3A_266] {strides = array<i32>} : memref<25x2048xf32, #tpu.memory_space<vmem>>, vector<1x16xf32>,
      %swap3A_268 = vector.shape_cast %swap3A_267 : vector<1x16xf32> to vector<16xf32>
      %swap3A_269 = vector.shape_cast %get3A_264 : vector<16xf32> to vector<1x16xf32>
      tpu.vector_store %arg6[%swap3A_265, %swap3A_266], %swap3A_269 {strides = array<i32>} : memref<25x2048xf32, #tpu.memory_space<vmem>>, vector<1x16xf32>,
      %get3A_270 = arith.constant 5 : i32
      %get3A_271 = arith.index_cast %get3A_270 : i32 to index
      %get3A_272 = arith.index_cast %multiple_of3A_260 : i32 to index
      %get3A_273 = tpu.vector_load %arg4[%get3A_271, %get3A_272] {strides = array<i32>} : memref<16x2048xf32, #tpu.memory_space<vmem>>, vector<1x16xf32>,
      %get3A_274 = vector.shape_cast %get3A_273 : vector<1x16xf32> to vector<16xf32>
      %swap3A_275 = arith.constant 11 : i32
      %swap3A_276 = arith.index_cast %swap3A_275 : i32 to index
      %swap3A_277 = arith.index_cast %multiple_of3A_260 : i32 to index
      %swap3A_278 = tpu.vector_load %arg6[%swap3A_276, %swap3A_277] {strides = array<i32>} : memref<25x2048xf32, #tpu.memory_space<vmem>>, vector<1x16xf32>,
      %swap3A_279 = vector.shape_cast %swap3A_278 : vector<1x16xf32> to vector<16xf32>
      %swap3A_280 = vector.shape_cast %get3A_274 : vector<16xf32> to vector<1x16xf32>
      tpu.vector_store %arg6[%swap3A_276, %swap3A_277], %swap3A_280 {strides = array<i32>} : memref<25x2048xf32, #tpu.memory_space<vmem>>, vector<1x16xf32>,
      %get3A_281 = arith.constant 6 : i32
      %get3A_282 = arith.index_cast %get3A_281 : i32 to index
      %get3A_283 = arith.index_cast %multiple_of3A_260 : i32 to index
      %get3A_284 = tpu.vector_load %arg4[%get3A_282, %get3A_283] {strides = array<i32>} : memref<16x2048xf32, #tpu.memory_space<vmem>>, vector<1x16xf32>,
      %get3A_285 = vector.shape_cast %get3A_284 : vector<1x16xf32> to vector<16xf32>
      %swap3A_286 = arith.constant 12 : i32
      %swap3A_287 = arith.index_cast %swap3A_286 : i32 to index
      %swap3A_288 = arith.index_cast %multiple_of3A_260 : i32 to index
      %swap3A_289 = tpu.vector_load %arg6[%swap3A_287, %swap3A_288] {strides = array<i32>} : memref<25x2048xf32, #tpu.memory_space<vmem>>, vector<1x16xf32>,
      %swap3A_290 = vector.shape_cast %swap3A_289 : vector<1x16xf32> to vector<16xf32>
      %swap3A_291 = vector.shape_cast %get3A_285 : vector<16xf32> to vector<1x16xf32>
      tpu.vector_store %arg6[%swap3A_287, %swap3A_288], %swap3A_291 {strides = array<i32>} : memref<25x2048xf32, #tpu.memory_space<vmem>>, vector<1x16xf32>,
      %get3A_292 = arith.constant 7 : i32
      %get3A_293 = arith.index_cast %get3A_292 : i32 to index
      %get3A_294 = arith.index_cast %multiple_of3A_260 : i32 to index
      %get3A_295 = tpu.vector_load %arg4[%get3A_293, %get3A_294] {strides = array<i32>} : memref<16x2048xf32, #tpu.memory_space<vmem>>, vector<1x16xf32>,
      %get3A_296 = vector.shape_cast %get3A_295 : vector<1x16xf32> to vector<16xf32>
      %swap3A_297 = arith.constant 13 : i32
      %swap3A_298 = arith.index_cast %swap3A_297 : i32 to index
      %swap3A_299 = arith.index_cast %multiple_of3A_260 : i32 to index
      %swap3A_300 = tpu.vector_load %arg6[%swap3A_298, %swap3A_299] {strides = array<i32>} : memref<25x2048xf32, #tpu.memory_space<vmem>>, vector<1x16xf32>,
      %swap3A_301 = vector.shape_cast %swap3A_300 : vector<1x16xf32> to vector<16xf32>
      %swap3A_302 = vector.shape_cast %get3A_296 : vector<16xf32> to vector<1x16xf32>
      tpu.vector_store %arg6[%swap3A_298, %swap3A_299], %swap3A_302 {strides = array<i32>} : memref<25x2048xf32, #tpu.memory_space<vmem>>, vector<1x16xf32>,
      %get3A_303 = arith.constant 8 : i32
      %get3A_304 = arith.index_cast %get3A_303 : i32 to index
      %get3A_305 = arith.index_cast %multiple_of3A_260 : i32 to index
      %get3A_306 = tpu.vector_load %arg4[%get3A_304, %get3A_305] {strides = array<i32>} : memref<16x2048xf32, #tpu.memory_space<vmem>>, vector<1x16xf32>,
      %get3A_307 = vector.shape_cast %get3A_306 : vector<1x16xf32> to vector<16xf32>
      %swap3A_308 = arith.constant 14 : i32
      %swap3A_309 = arith.index_cast %swap3A_308 : i32 to index
      %swap3A_310 = arith.index_cast %multiple_of3A_260 : i32 to index
      %swap3A_311 = tpu.vector_load %arg6[%swap3A_309, %swap3A_310] {strides = array<i32>} : memref<25x2048xf32, #tpu.memory_space<vmem>>, vector<1x16xf32>,
      %swap3A_312 = vector.shape_cast %swap3A_311 : vector<1x16xf32> to vector<16xf32>
      %swap3A_313 = vector.shape_cast %get3A_307 : vector<16xf32> to vector<1x16xf32>
      tpu.vector_store %arg6[%swap3A_309, %swap3A_310], %swap3A_313 {strides = array<i32>} : memref<25x2048xf32, #tpu.memory_space<vmem>>, vector<1x16xf32>,
      %scan3A_314 = arith.constant 0 : i32
      scf.yield %scan3A_314 : i32
    }
    %scan3A_205 = arith.constant 128 : i32
    %dma_start3A_206 = arith.constant 0 : i32
    %dma_start3A_207 = tpu.memref_slice %arg2[%multiple_of3A_156, %dma_start3A_206] : memref<6400x2048xf32, #tpu.memory_space<hbm>> -> memref<16x2048xf32, #tpu.memory_space<hbm>>
    %dma_start3A_208 = arith.constant 0 : i32
    %dma_start3A_209 = tpu.memref_slice %arg2[%multiple_of3A_156, %dma_start3A_208] : memref<6400x2048xf32, #tpu.memory_space<hbm>> -> memref<16x2048xf32, #tpu.memory_space<hbm>>
    tpu.enqueue_dma source(%dma_start3A_209 : memref<16x2048xf32, #tpu.memory_space<hbm>>) target(%arg4 : memref<16x2048xf32, #tpu.memory_space<vmem>>) target_semaphore(%arg7 : memref<!tpu.dma_semaphore, #tpu.memory_space<semaphore_mem>>)
    %dma_wait3A_210 = arith.constant 0 : i32
    %dma_wait3A_211 = tpu.memref_slice %arg2[%multiple_of3A_149, %dma_wait3A_210] : memref<6400x2048xf32, #tpu.memory_space<hbm>> -> memref<16x2048xf32, #tpu.memory_space<hbm>>
    %dma_wait3A_212 = arith.constant 0 : i32
    %dma_wait3A_213 = tpu.memref_slice %arg2[%multiple_of3A_149, %dma_wait3A_212] : memref<6400x2048xf32, #tpu.memory_space<hbm>> -> memref<16x2048xf32, #tpu.memory_space<hbm>>
    tpu.wait_dma2 semaphore(%arg7 : memref<!tpu.dma_semaphore, #tpu.memory_space<semaphore_mem>>) src(%dma_wait3A_213 : memref<16x2048xf32, #tpu.memory_space<hbm>>) dst(%arg5 : memref<16x2048xf32, #tpu.memory_space<vmem>>)
    %scan3A_214 = arith.constant 0 : i32
    %scan3A_215 = arith.constant 0 : i32
    %scan3A_216 = arith.constant 128 : i32
    %scan3A_217 = arith.addi %scan3A_215, %scan3A_216 : i32
    %scan3A_218 = arith.constant 1 : i32
    %scan3A_219 = scf.for %scan3A_256 = %scan3A_215 to %scan3A_217 step %scan3A_218 iter_args(%scan3A_257 = %scan3A_214) -> (i32)  : i32 {
      %mul3A_258 = arith.constant 16 : i32
      %mul3A_259 = arith.muli %scan3A_256, %mul3A_258 : i32
      %multiple_of3A_260 = tpu.assume_multiple %mul3A_259, 16 : i32
      %get3A = arith.constant 0 : i32
      %get3A_261 = arith.index_cast %get3A : i32 to index
      %get3A_262 = arith.index_cast %multiple_of3A_260 : i32 to index
      %get3A_263 = tpu.vector_load %arg5[%get3A_261, %get3A_262] {strides = array<i32>} : memref<16x2048xf32, #tpu.memory_space<vmem>>, vector<1x16xf32>,
      %get3A_264 = vector.shape_cast %get3A_263 : vector<1x16xf32> to vector<16xf32>
      %swap3A = arith.constant 15 : i32
      %swap3A_265 = arith.index_cast %swap3A : i32 to index
      %swap3A_266 = arith.index_cast %multiple_of3A_260 : i32 to index
      %swap3A_267 = tpu.vector_load %arg6[%swap3A_265, %swap3A_266] {strides = array<i32>} : memref<25x2048xf32, #tpu.memory_space<vmem>>, vector<1x16xf32>,
      %swap3A_268 = vector.shape_cast %swap3A_267 : vector<1x16xf32> to vector<16xf32>
      %swap3A_269 = vector.shape_cast %get3A_264 : vector<16xf32> to vector<1x16xf32>
      tpu.vector_store %arg6[%swap3A_265, %swap3A_266], %swap3A_269 {strides = array<i32>} : memref<25x2048xf32, #tpu.memory_space<vmem>>, vector<1x16xf32>,
      %get3A_270 = arith.constant 1 : i32
      %get3A_271 = arith.index_cast %get3A_270 : i32 to index
      %get3A_272 = arith.index_cast %multiple_of3A_260 : i32 to index
      %get3A_273 = tpu.vector_load %arg5[%get3A_271, %get3A_272] {strides = array<i32>} : memref<16x2048xf32, #tpu.memory_space<vmem>>, vector<1x16xf32>,
      %get3A_274 = vector.shape_cast %get3A_273 : vector<1x16xf32> to vector<16xf32>
      %swap3A_275 = arith.constant 16 : i32
      %swap3A_276 = arith.index_cast %swap3A_275 : i32 to index
      %swap3A_277 = arith.index_cast %multiple_of3A_260 : i32 to index
      %swap3A_278 = tpu.vector_load %arg6[%swap3A_276, %swap3A_277] {strides = array<i32>} : memref<25x2048xf32, #tpu.memory_space<vmem>>, vector<1x16xf32>,
      %swap3A_279 = vector.shape_cast %swap3A_278 : vector<1x16xf32> to vector<16xf32>
      %swap3A_280 = vector.shape_cast %get3A_274 : vector<16xf32> to vector<1x16xf32>
      tpu.vector_store %arg6[%swap3A_276, %swap3A_277], %swap3A_280 {strides = array<i32>} : memref<25x2048xf32, #tpu.memory_space<vmem>>, vector<1x16xf32>,
      %get3A_281 = arith.constant 2 : i32
      %get3A_282 = arith.index_cast %get3A_281 : i32 to index
      %get3A_283 = arith.index_cast %multiple_of3A_260 : i32 to index
      %get3A_284 = tpu.vector_load %arg5[%get3A_282, %get3A_283] {strides = array<i32>} : memref<16x2048xf32, #tpu.memory_space<vmem>>, vector<1x16xf32>,
      %get3A_285 = vector.shape_cast %get3A_284 : vector<1x16xf32> to vector<16xf32>
      %swap3A_286 = arith.constant 17 : i32
      %swap3A_287 = arith.index_cast %swap3A_286 : i32 to index
      %swap3A_288 = arith.index_cast %multiple_of3A_260 : i32 to index
      %swap3A_289 = tpu.vector_load %arg6[%swap3A_287, %swap3A_288] {strides = array<i32>} : memref<25x2048xf32, #tpu.memory_space<vmem>>, vector<1x16xf32>,
      %swap3A_290 = vector.shape_cast %swap3A_289 : vector<1x16xf32> to vector<16xf32>
      %swap3A_291 = vector.shape_cast %get3A_285 : vector<16xf32> to vector<1x16xf32>
      tpu.vector_store %arg6[%swap3A_287, %swap3A_288], %swap3A_291 {strides = array<i32>} : memref<25x2048xf32, #tpu.memory_space<vmem>>, vector<1x16xf32>,
      %get3A_292 = arith.constant 3 : i32
      %get3A_293 = arith.index_cast %get3A_292 : i32 to index
      %get3A_294 = arith.index_cast %multiple_of3A_260 : i32 to index
      %get3A_295 = tpu.vector_load %arg5[%get3A_293, %get3A_294] {strides = array<i32>} : memref<16x2048xf32, #tpu.memory_space<vmem>>, vector<1x16xf32>,
      %get3A_296 = vector.shape_cast %get3A_295 : vector<1x16xf32> to vector<16xf32>
      %swap3A_297 = arith.constant 18 : i32
      %swap3A_298 = arith.index_cast %swap3A_297 : i32 to index
      %swap3A_299 = arith.index_cast %multiple_of3A_260 : i32 to index
      %swap3A_300 = tpu.vector_load %arg6[%swap3A_298, %swap3A_299] {strides = array<i32>} : memref<25x2048xf32, #tpu.memory_space<vmem>>, vector<1x16xf32>,
      %swap3A_301 = vector.shape_cast %swap3A_300 : vector<1x16xf32> to vector<16xf32>
      %swap3A_302 = vector.shape_cast %get3A_296 : vector<16xf32> to vector<1x16xf32>
      tpu.vector_store %arg6[%swap3A_298, %swap3A_299], %swap3A_302 {strides = array<i32>} : memref<25x2048xf32, #tpu.memory_space<vmem>>, vector<1x16xf32>,
      %get3A_303 = arith.constant 4 : i32
      %get3A_304 = arith.index_cast %get3A_303 : i32 to index
      %get3A_305 = arith.index_cast %multiple_of3A_260 : i32 to index
      %get3A_306 = tpu.vector_load %arg5[%get3A_304, %get3A_305] {strides = array<i32>} : memref<16x2048xf32, #tpu.memory_space<vmem>>, vector<1x16xf32>,
      %get3A_307 = vector.shape_cast %get3A_306 : vector<1x16xf32> to vector<16xf32>
      %swap3A_308 = arith.constant 19 : i32
      %swap3A_309 = arith.index_cast %swap3A_308 : i32 to index
      %swap3A_310 = arith.index_cast %multiple_of3A_260 : i32 to index
      %swap3A_311 = tpu.vector_load %arg6[%swap3A_309, %swap3A_310] {strides = array<i32>} : memref<25x2048xf32, #tpu.memory_space<vmem>>, vector<1x16xf32>,
      %swap3A_312 = vector.shape_cast %swap3A_311 : vector<1x16xf32> to vector<16xf32>
      %swap3A_313 = vector.shape_cast %get3A_307 : vector<16xf32> to vector<1x16xf32>
      tpu.vector_store %arg6[%swap3A_309, %swap3A_310], %swap3A_313 {strides = array<i32>} : memref<25x2048xf32, #tpu.memory_space<vmem>>, vector<1x16xf32>,
      %scan3A_314 = arith.constant 0 : i32
      scf.yield %scan3A_314 : i32
    }
    %scan3A_220 = arith.constant 128 : i32
    %dma_wait3A_221 = arith.constant 0 : i32
    %dma_wait3A_222 = tpu.memref_slice %arg2[%multiple_of3A_156, %dma_wait3A_221] : memref<6400x2048xf32, #tpu.memory_space<hbm>> -> memref<16x2048xf32, #tpu.memory_space<hbm>>
    %dma_wait3A_223 = arith.constant 0 : i32
    %dma_wait3A_224 = tpu.memref_slice %arg2[%multiple_of3A_156, %dma_wait3A_223] : memref<6400x2048xf32, #tpu.memory_space<hbm>> -> memref<16x2048xf32, #tpu.memory_space<hbm>>
    tpu.wait_dma2 semaphore(%arg7 : memref<!tpu.dma_semaphore, #tpu.memory_space<semaphore_mem>>) src(%dma_wait3A_224 : memref<16x2048xf32, #tpu.memory_space<hbm>>) dst(%arg4 : memref<16x2048xf32, #tpu.memory_space<vmem>>)
    %scan3A_225 = arith.constant 0 : i32
    %scan3A_226 = arith.constant 0 : i32
    %scan3A_227 = arith.constant 128 : i32
    %scan3A_228 = arith.addi %scan3A_226, %scan3A_227 : i32
    %scan3A_229 = arith.constant 1 : i32
    %scan3A_230 = scf.for %scan3A_256 = %scan3A_226 to %scan3A_228 step %scan3A_229 iter_args(%scan3A_257 = %scan3A_225) -> (i32)  : i32 {
      %mul3A_258 = arith.constant 16 : i32
      %mul3A_259 = arith.muli %scan3A_256, %mul3A_258 : i32
      %multiple_of3A_260 = tpu.assume_multiple %mul3A_259, 16 : i32
      %get3A = arith.constant 4 : i32
      %get3A_261 = arith.index_cast %get3A : i32 to index
      %get3A_262 = arith.index_cast %multiple_of3A_260 : i32 to index
      %get3A_263 = tpu.vector_load %arg4[%get3A_261, %get3A_262] {strides = array<i32>} : memref<16x2048xf32, #tpu.memory_space<vmem>>, vector<1x16xf32>,
      %get3A_264 = vector.shape_cast %get3A_263 : vector<1x16xf32> to vector<16xf32>
      %swap3A = arith.constant 20 : i32
      %swap3A_265 = arith.index_cast %swap3A : i32 to index
      %swap3A_266 = arith.index_cast %multiple_of3A_260 : i32 to index
      %swap3A_267 = tpu.vector_load %arg6[%swap3A_265, %swap3A_266] {strides = array<i32>} : memref<25x2048xf32, #tpu.memory_space<vmem>>, vector<1x16xf32>,
      %swap3A_268 = vector.shape_cast %swap3A_267 : vector<1x16xf32> to vector<16xf32>
      %swap3A_269 = vector.shape_cast %get3A_264 : vector<16xf32> to vector<1x16xf32>
      tpu.vector_store %arg6[%swap3A_265, %swap3A_266], %swap3A_269 {strides = array<i32>} : memref<25x2048xf32, #tpu.memory_space<vmem>>, vector<1x16xf32>,
      %get3A_270 = arith.constant 5 : i32
      %get3A_271 = arith.index_cast %get3A_270 : i32 to index
      %get3A_272 = arith.index_cast %multiple_of3A_260 : i32 to index
      %get3A_273 = tpu.vector_load %arg4[%get3A_271, %get3A_272] {strides = array<i32>} : memref<16x2048xf32, #tpu.memory_space<vmem>>, vector<1x16xf32>,
      %get3A_274 = vector.shape_cast %get3A_273 : vector<1x16xf32> to vector<16xf32>
      %swap3A_275 = arith.constant 21 : i32
      %swap3A_276 = arith.index_cast %swap3A_275 : i32 to index
      %swap3A_277 = arith.index_cast %multiple_of3A_260 : i32 to index
      %swap3A_278 = tpu.vector_load %arg6[%swap3A_276, %swap3A_277] {strides = array<i32>} : memref<25x2048xf32, #tpu.memory_space<vmem>>, vector<1x16xf32>,
      %swap3A_279 = vector.shape_cast %swap3A_278 : vector<1x16xf32> to vector<16xf32>
      %swap3A_280 = vector.shape_cast %get3A_274 : vector<16xf32> to vector<1x16xf32>
      tpu.vector_store %arg6[%swap3A_276, %swap3A_277], %swap3A_280 {strides = array<i32>} : memref<25x2048xf32, #tpu.memory_space<vmem>>, vector<1x16xf32>,
      %get3A_281 = arith.constant 6 : i32
      %get3A_282 = arith.index_cast %get3A_281 : i32 to index
      %get3A_283 = arith.index_cast %multiple_of3A_260 : i32 to index
      %get3A_284 = tpu.vector_load %arg4[%get3A_282, %get3A_283] {strides = array<i32>} : memref<16x2048xf32, #tpu.memory_space<vmem>>, vector<1x16xf32>,
      %get3A_285 = vector.shape_cast %get3A_284 : vector<1x16xf32> to vector<16xf32>
      %swap3A_286 = arith.constant 22 : i32
      %swap3A_287 = arith.index_cast %swap3A_286 : i32 to index
      %swap3A_288 = arith.index_cast %multiple_of3A_260 : i32 to index
      %swap3A_289 = tpu.vector_load %arg6[%swap3A_287, %swap3A_288] {strides = array<i32>} : memref<25x2048xf32, #tpu.memory_space<vmem>>, vector<1x16xf32>,
      %swap3A_290 = vector.shape_cast %swap3A_289 : vector<1x16xf32> to vector<16xf32>
      %swap3A_291 = vector.shape_cast %get3A_285 : vector<16xf32> to vector<1x16xf32>
      tpu.vector_store %arg6[%swap3A_287, %swap3A_288], %swap3A_291 {strides = array<i32>} : memref<25x2048xf32, #tpu.memory_space<vmem>>, vector<1x16xf32>,
      %get3A_292 = arith.constant 7 : i32
      %get3A_293 = arith.index_cast %get3A_292 : i32 to index
      %get3A_294 = arith.index_cast %multiple_of3A_260 : i32 to index
      %get3A_295 = tpu.vector_load %arg4[%get3A_293, %get3A_294] {strides = array<i32>} : memref<16x2048xf32, #tpu.memory_space<vmem>>, vector<1x16xf32>,
      %get3A_296 = vector.shape_cast %get3A_295 : vector<1x16xf32> to vector<16xf32>
      %swap3A_297 = arith.constant 23 : i32
      %swap3A_298 = arith.index_cast %swap3A_297 : i32 to index
      %swap3A_299 = arith.index_cast %multiple_of3A_260 : i32 to index
      %swap3A_300 = tpu.vector_load %arg6[%swap3A_298, %swap3A_299] {strides = array<i32>} : memref<25x2048xf32, #tpu.memory_space<vmem>>, vector<1x16xf32>,
      %swap3A_301 = vector.shape_cast %swap3A_300 : vector<1x16xf32> to vector<16xf32>
      %swap3A_302 = vector.shape_cast %get3A_296 : vector<16xf32> to vector<1x16xf32>
      tpu.vector_store %arg6[%swap3A_298, %swap3A_299], %swap3A_302 {strides = array<i32>} : memref<25x2048xf32, #tpu.memory_space<vmem>>, vector<1x16xf32>,
      %get3A_303 = arith.constant 8 : i32
      %get3A_304 = arith.index_cast %get3A_303 : i32 to index
      %get3A_305 = arith.index_cast %multiple_of3A_260 : i32 to index
      %get3A_306 = tpu.vector_load %arg4[%get3A_304, %get3A_305] {strides = array<i32>} : memref<16x2048xf32, #tpu.memory_space<vmem>>, vector<1x16xf32>,
      %get3A_307 = vector.shape_cast %get3A_306 : vector<1x16xf32> to vector<16xf32>
      %swap3A_308 = arith.constant 24 : i32
      %swap3A_309 = arith.index_cast %swap3A_308 : i32 to index
      %swap3A_310 = arith.index_cast %multiple_of3A_260 : i32 to index
      %swap3A_311 = tpu.vector_load %arg6[%swap3A_309, %swap3A_310] {strides = array<i32>} : memref<25x2048xf32, #tpu.memory_space<vmem>>, vector<1x16xf32>,
      %swap3A_312 = vector.shape_cast %swap3A_311 : vector<1x16xf32> to vector<16xf32>
      %swap3A_313 = vector.shape_cast %get3A_307 : vector<16xf32> to vector<1x16xf32>
      tpu.vector_store %arg6[%swap3A_309, %swap3A_310], %swap3A_313 {strides = array<i32>} : memref<25x2048xf32, #tpu.memory_space<vmem>>, vector<1x16xf32>,
      %scan3A_314 = arith.constant 0 : i32
      scf.yield %scan3A_314 : i32
    }
    %scan3A_231 = arith.constant 128 : i32
    %dma_wait3A_232 = arith.constant 0 : i32
    %dma_wait3A_233 = arith.constant 0 : i32
    %dma_wait3A_234 = tpu.memref_slice %arg3[%add3A_4, %dma_wait3A_232, %dma_wait3A_233] : memref<64x25x2048xf32, #tpu.memory_space<hbm>> -> memref<1x25x2048xf32, #tpu.memory_space<hbm>>
    %dma_wait3A_235 = tpu.memref_squeeze %dma_wait3A_234 : memref<1x25x2048xf32, #tpu.memory_space<hbm>> -> memref<25x2048xf32, #tpu.memory_space<hbm>>
    %dma_wait3A_236 = arith.constant 0 : i32
    %dma_wait3A_237 = arith.constant 0 : i32
    %dma_wait3A_238 = tpu.memref_slice %arg3[%add3A_4, %dma_wait3A_236, %dma_wait3A_237] : memref<64x25x2048xf32, #tpu.memory_space<hbm>> -> memref<1x25x2048xf32, #tpu.memory_space<hbm>>
    %dma_wait3A_239 = tpu.memref_squeeze %dma_wait3A_238 : memref<1x25x2048xf32, #tpu.memory_space<hbm>> -> memref<25x2048xf32, #tpu.memory_space<hbm>>
    tpu.wait_dma2 semaphore(%arg9 : memref<!tpu.dma_semaphore, #tpu.memory_space<semaphore_mem>>) src(%arg6 : memref<25x2048xf32, #tpu.memory_space<vmem>>) dst(%dma_wait3A_239 : memref<25x2048xf32, #tpu.memory_space<hbm>>)
    %dma_start3A_240 = arith.constant 0 : i32
    %dma_start3A_241 = arith.constant 0 : i32
    %dma_start3A_242 = tpu.memref_slice %arg3[%add3A_121, %dma_start3A_240, %dma_start3A_241] : memref<64x25x2048xf32, #tpu.memory_space<hbm>> -> memref<1x25x2048xf32, #tpu.memory_space<hbm>>
    %dma_start3A_243 = tpu.memref_squeeze %dma_start3A_242 : memref<1x25x2048xf32, #tpu.memory_space<hbm>> -> memref<25x2048xf32, #tpu.memory_space<hbm>>
    %dma_start3A_244 = arith.constant 0 : i32
    %dma_start3A_245 = arith.constant 0 : i32
    %dma_start3A_246 = tpu.memref_slice %arg3[%add3A_121, %dma_start3A_244, %dma_start3A_245] : memref<64x25x2048xf32, #tpu.memory_space<hbm>> -> memref<1x25x2048xf32, #tpu.memory_space<hbm>>
    %dma_start3A_247 = tpu.memref_squeeze %dma_start3A_246 : memref<1x25x2048xf32, #tpu.memory_space<hbm>> -> memref<25x2048xf32, #tpu.memory_space<hbm>>
    tpu.enqueue_dma source(%arg6 : memref<25x2048xf32, #tpu.memory_space<vmem>>) target(%dma_start3A_247 : memref<25x2048xf32, #tpu.memory_space<hbm>>) target_semaphore(%arg9 : memref<!tpu.dma_semaphore, #tpu.memory_space<semaphore_mem>>)
    %dma_wait3A_248 = arith.constant 0 : i32
    %dma_wait3A_249 = arith.constant 0 : i32
    %dma_wait3A_250 = tpu.memref_slice %arg3[%add3A_121, %dma_wait3A_248, %dma_wait3A_249] : memref<64x25x2048xf32, #tpu.memory_space<hbm>> -> memref<1x25x2048xf32, #tpu.memory_space<hbm>>
    %dma_wait3A_251 = tpu.memref_squeeze %dma_wait3A_250 : memref<1x25x2048xf32, #tpu.memory_space<hbm>> -> memref<25x2048xf32, #tpu.memory_space<hbm>>
    %dma_wait3A_252 = arith.constant 0 : i32
    %dma_wait3A_253 = arith.constant 0 : i32
    %dma_wait3A_254 = tpu.memref_slice %arg3[%add3A_121, %dma_wait3A_252, %dma_wait3A_253] : memref<64x25x2048xf32, #tpu.memory_space<hbm>> -> memref<1x25x2048xf32, #tpu.memory_space<hbm>>
    %dma_wait3A_255 = tpu.memref_squeeze %dma_wait3A_254 : memref<1x25x2048xf32, #tpu.memory_space<hbm>> -> memref<25x2048xf32, #tpu.memory_space<hbm>>
    tpu.wait_dma2 semaphore(%arg9 : memref<!tpu.dma_semaphore, #tpu.memory_space<semaphore_mem>>) src(%arg6 : memref<25x2048xf32, #tpu.memory_space<vmem>>) dst(%dma_wait3A_255 : memref<25x2048xf32, #tpu.memory_space<hbm>>)
    return
  }
}

module attributes {stable_mosaic.version = 14 : i64} {
  func.func @qkernel(%arg0: i32, %arg1: memref<800x2048xf32, #tpu.memory_space<vmem>>, %arg2: memref<8x75x2048xf32, #tpu.memory_space<vmem>>) attributes {dimension_semantics = [#tpu.dimension_semantics<arbitrary>], iteration_bounds = array<i64: 8>, scalar_prefetch = 0 : i64, scratch_operands = 0 : i64, tpu.core_type = #tpu.core_type<tc>, window_params = [{transform_indices = @transform_0, window_bounds = array<i64: 800, 2048>}, {transform_indices = @transform_1, window_bounds = array<i64: 8, 75, 2048>}]} {
    %get3A = arith.constant 0 : index
    %get3A_0 = arith.constant 0 : index
    %get3A_1 = vector.load %arg1[%get3A, %get3A_0] : memref<800x2048xf32, #tpu.memory_space<vmem>>, vector<800x2048xf32>
    %reshape3A = vector.shape_cast %get3A_1 : vector<800x2048xf32> to vector<8x5x20x2048xf32>
    %slice3A = vector.extract_strided_slice %reshape3A {offsets = [0, 0, 5, 0], sizes = [8, 5, 15, 2048], strides = [1, 1, 1, 1]} : vector<8x5x20x2048xf32> to vector<8x5x15x2048xf32>
    %reshape3A_2 = vector.shape_cast %slice3A : vector<8x5x15x2048xf32> to vector<8x75x2048xf32>
    %swap3A = arith.constant 0 : index
    %swap3A_3 = arith.constant 0 : index
    %swap3A_4 = arith.constant 0 : index
    %swap3A_5 = vector.load %arg2[%swap3A, %swap3A_3, %swap3A_4] : memref<8x75x2048xf32, #tpu.memory_space<vmem>>, vector<8x75x2048xf32>
    tpu.vector_store %arg2[%swap3A, %swap3A_3, %swap3A_4], %reshape3A_2 {strides = array<i32>} : memref<8x75x2048xf32, #tpu.memory_space<vmem>>, vector<8x75x2048xf32>,
    return
  }
  func.func @transform_0(%arg0: i32) -> (i32, i32) {
    %c0_i32 = arith.constant 0 : i32
    %c0_i32_0 = arith.constant 0 : i32
    return %arg0, %c0_i32 : i32, i32
  }
  func.func @transform_1(%arg0: i32) -> (i32, i32, i32) {
    %c0_i32 = arith.constant 0 : i32
    %c0_i32_0 = arith.constant 0 : i32
    %c0_i32_1 = arith.constant 0 : i32
    return %arg0, %c0_i32, %c0_i32_0 : i32, i32, i32
  }
}

</mosaic_0001>

<sc_bundles>
// kernel: kernel.4.cloned.1.call-start
scs
__scs_entry_jumppad:
0x0: {  	(pc) =	sbr.rel $0x88, $3  }
0x1: {  	(tag) =	ssettag $0x0;
	lr =	simm.s32 $0x1  }
0x2: {  	[smem:$0x3FA0] =	sst lr;
	_ =	strace $0xD0000000  }
0x3: {  	_ = 	snop  }
0x4: {  	_ = 	snop  }
0x5: {  	_ = 	snop  }
0x6: {  	_ = 	snop  }
0x7: {  	_ = 	snop  }
__scs_overlays_trampoline_lowered:
0x8: {  	[smem:$0x3FAF] =	sst s0  }
0x9: {  	[smem:$0x3FB0] =	sst s1  }
0xa: {  	[smem:$0x3FB1] =	sst s2  }
0xb: {  	[smem:$0x3FB2] =	sst s3  }
0xc: {  	[smem:$0x3FB3] =	sst s4  }
0xd: {  	[smem:$0x3FB4] =	sst s5  }
0xe: {  	[smem:$0x3FB5] =	sst s6  }
0xf: {  	[smem:$0x3FB6] =	sst s7  }
0x10: {  	[smem:$0x3FB7] =	sst s8  }
0x11: {  	[smem:$0x3FB8] =	sst s9;
	s0 =	simm.s32 @!p0 $0x0  }
0x12: {  	s1 =	sld [smem:$0x3F9E];
	s0 =	simm.s32 @p0 $0x1  }
0x13: {  	[smem:$0x3FB9] =	sst s0;
	s0 =	simm.s32 @!p1 $0x0  }
0x14: {  	s2 =	sld [smem:$0x3F9D];
	s0 =	simm.s32 @p1 $0x1  }
0x15: {  	[smem:$0x3FBA] =	sst s0;
	s0 =	simm.s32 @!p2 $0x0  }
0x16: {  	s3 =	sld [smem:$0x3FDB];
	s0 =	simm.s32 @p2 $0x1  }
0x17: {  	s4 =	simm.s32 $0x1BF5;
	[smem:$0x3FBC] =	sst s0  }
0x18: {  	s0 =	sld [smem:$0x3F9F];
	_ =	swait.ge [sflag:s4], $0x0  }
0x19: {  	s7 =	sld [smem:$0x3FA0]  }
0x1a: {  	s8 =	sadd.s32 $0xFFFFE003, lr  }
0x1b: {  	s9 =	sadd.s32 $0xFFFFFEF7, lr;
	s5 =	simm.s32 $0xFFFFFFFF;
	p2 =	slt.u32 s8, $0xFFFFF086  }
0x1c: {  	p1 =	slt.u32 s9, $0xF7A;
	s5 =	simm.s32 @!p2 $0x0  }
0x1d: {  	s5 =	simm.s32 @p1 $0x1;
	p0 =	seq.s32 s7, s2  }
0x1e: {  	s7 =	smul.u32 @!p0 $0xF7A, s2;
	p2 =	seq.s32 @!p0 s5, $0x0  }
0x1f: {  	s9 =	smul.u32 $0xF7A, s1;
	s8 =	simm.s32 @!p0 $0x1BF5;
	p2 =	por !p2, p0  }
0x20: {  	[sflag:s8] =	ssyncset.s32 @!p0 $0xFFFFF086;
	s6 =	sadd.s32 @!p0 s3, s7;
	s7 =	simm.s32 @!p0 $0x108  }
0x21: {  	s3 =	sadd.s32 s3, s9;
	s6 =	sadd.s32 @!p0 $0x88, s6;
	s7 =	simm.s32 @p2 $0x1082  }
0x22: {  	[simem:s7], [sflag:s8] =	dma.local @!p0 [hbm:s6], $0xF7A  }
0x23: {  	s9 =	sor.u32 $0xD0000000, s2;
	s6 =	simm.s32 $0x108;
	_ =	swait.ge @!p0 [sflag:s8], $0x0  }
0x24: {  	s3 =	sadd.s32 $0x88, s3;
	s6 =	simm.s32 @!p1 $0x1082;
	[sflag:s4] =	ssyncset.s32 $0xFFFFF086  }
0x25: {  	[simem:s6], [sflag:s4] =	dma.local [hbm:s3], $0xF7A  }
0x26: {  	[smem:$0x3FA0] =	sst s1;
	(tag) =	ssettag s2;
	_ =	strace s9  }
0x27: {  	s1 =	sld [smem:$0x3FB0]  }
0x28: {  	s2 =	sld [smem:$0x3FB1]  }
0x29: {  	s4 =	sld [smem:$0x3FB3]  }
0x2a: {  	p0 =	seq.s32 s5, $0x0;
	s5 =	sld [smem:$0x3FB4]  }
0x2b: {  	s6 =	sld [smem:$0x3FB5]  }
0x2c: {  	s7 =	sld [smem:$0x3FB6]  }
0x2d: {  	s3 =	simm.s32 $0x108;
	s8 =	sld [smem:$0x3FB7]  }
0x2e: {  	s3 =	simm.s32 @!p0 $0x1082;
	s9 =	sld [smem:$0x3FB8]  }
0x2f: {  	lr =	sadd.s32 s0, s3;
	s0 =	sld [smem:$0x3FAF]  }
0x30: {  	s3 =	sld [smem:$0x3FB2]  }
0x31: {  	[smem:$0x3FBB] =	sst s10  }
0x32: {  	s10 =	sld [smem:$0x3FB9];
	_ =	sdelay $0x3  }
0x33: {  	p0 =	seq.s32 s10, $0x1;
	s10 =	sld [smem:$0x3FBB];
	_ =	sdelay $0x3  }
0x34: {  	[smem:$0x3FBB] =	sst s10  }
0x35: {  	s10 =	sld [smem:$0x3FBA];
	_ =	sdelay $0x3  }
0x36: {  	p1 =	seq.s32 s10, $0x1;
	s10 =	sld [smem:$0x3FBB];
	_ =	sdelay $0x3  }
0x37: {  	[smem:$0x3FBB] =	sst s10  }
0x38: {  	s10 =	sld [smem:$0x3FBC]  }
0x39: {  	_ = 	snop;
	(pc) =	sbr.ind lr, $3  }
0x3a: {  	_ = 	snop  }
0x3b: {  	_ = 	snop  }
0x3c: {  	p2 =	seq.s32 s10, $0x1;
	s10 =	sld [smem:$0x3FBB]  }
0x3d: {  	_ =	shalt  }
0x3e: {  	_ =	shalt  }
0x3f: {  	_ =	shalt  }
0x40: {  	_ =	shalt  }
0x41: {  	_ =	shalt  }
0x42: {  	_ =	shalt  }
0x43: {  	_ =	shalt  }
0x44: {  	_ =	shalt  }
0x45: {  	_ =	shalt  }
0x46: {  	_ =	shalt  }
0x47: {  	_ =	shalt  }
0x48: {  	_ =	shalt  }
0x49: {  	_ =	shalt  }
0x4a: {  	_ =	shalt  }
0x4b: {  	_ =	shalt  }
0x4c: {  	_ =	shalt  }
0x4d: {  	_ =	shalt  }
0x4e: {  	_ =	shalt  }
0x4f: {  	_ =	shalt  }
0x50: {  	_ =	shalt  }
0x51: {  	_ =	shalt  }
0x52: {  	_ =	shalt  }
0x53: {  	_ =	shalt  }
0x54: {  	_ =	shalt  }
0x55: {  	_ =	shalt  }
0x56: {  	_ =	shalt  }
0x57: {  	_ =	shalt  }
0x58: {  	_ =	shalt  }
0x59: {  	_ =	shalt  }
0x5a: {  	_ =	shalt  }
0x5b: {  	_ =	shalt  }
0x5c: {  	_ =	shalt  }
0x5d: {  	_ =	shalt  }
0x5e: {  	_ =	shalt  }
0x5f: {  	_ =	shalt  }
0x60: {  	_ =	shalt  }
0x61: {  	_ =	shalt  }
0x62: {  	_ =	shalt  }
0x63: {  	_ =	shalt  }
0x64: {  	_ =	shalt  }
0x65: {  	_ =	shalt  }
0x66: {  	_ =	shalt  }
0x67: {  	_ =	shalt  }
0x68: {  	_ =	shalt  }
0x69: {  	_ =	shalt  }
0x6a: {  	_ =	shalt  }
0x6b: {  	_ =	shalt  }
0x6c: {  	_ =	shalt  }
0x6d: {  	_ =	shalt  }
0x6e: {  	_ =	shalt  }
0x6f: {  	_ =	shalt  }
0x70: {  	_ =	shalt  }
0x71: {  	_ =	shalt  }
0x72: {  	_ =	shalt  }
0x73: {  	_ =	shalt  }
0x74: {  	_ =	shalt  }
0x75: {  	_ =	shalt  }
0x76: {  	_ =	shalt  }
0x77: {  	_ =	shalt  }
0x78: {  	_ =	shalt  }
0x79: {  	_ =	shalt  }
0x7a: {  	_ =	shalt  }
0x7b: {  	_ =	shalt  }
0x7c: {  	_ =	shalt  }
0x7d: {  	_ =	shalt  }
0x7e: {  	_ =	shalt  }
0x7f: {  	_ =	shalt  }
0x80: {  	_ =	shalt  }
0x81: {  	_ =	shalt  }
0x82: {  	_ =	shalt  }
0x83: {  	_ =	shalt  }
0x84: {  	_ =	shalt  }
0x85: {  	_ =	shalt  }
0x86: {  	_ =	shalt  }
0x87: {  	_ =	shalt  }
.Lfunc_end0:
.L_simem_size_0:
called_computation_lowered:
.L_overlay_start_0:
0x88: {  	s2 =	sld [smem:$0x3FD9]  }
0x89: {  	s3 =	sld [smem:$0x3FFE];
	_ =	sdelay $0x1  }
0x8a: {  	s1 =	srdreg.scid  }
0x8b: {  	s0 =	sand.u32 $0x1, s1  }
0x8c: {  	s17 =	sshll.u32 s0, $0xA;
	s2 =	sadd.s32 s3, s2  }
0x8d: {  	s2 =	sadd.s32 s2, s17  }
0x8e: {  	[smem:$0x3FC7] =	sst s2  }
0x8f: {  	_ = 	snop  }
0x90: {  	s2 =	sld [smem:$0x3FC9];
	(tm) =	ssettm $0x1  }
0x91: {  	s18 =	sld [smem:$0x3FFB];
	_ =	sdelay $0x3  }
0x92: {  	_ =	strace s18  }
0x93: {  	s3 =	sld [smem:$0x3FFC];
	_ =	sdelay $0x3  }
0x94: {  	_ =	strace s3  }
0x95: {  	s3 =	sld [smem:$0x3FFD];
	_ =	sdelay $0x3  }
0x96: {  	_ =	strace s3  }
0x97: {  	_ =	strace $0x8FFFFFFF  }
0x98: {  	s19 =	sld [smem:$0x3FDB];
	_ =	sdelay $0x1  }
0x99: {  	s4 =	simm.s32 $_scs_section_size  }
0x9a: {  	s5 =	simm.s32 $_size__tile_overlayer_lowered;
	s6 =	simm.s32 $_tile_overlayer_lowered  }
0x9b: {  	s22 =	simm.s32 $0x1BFF;
	s21 =	sshll.u32 s6, $0x1;
	s3 =	sadd.s32 s4, s19  }
0x9c: {  	s7 =	simm.s32 $0x0;
	s20 =	sshll.u32 s5, $0x1;
	s5 =	sadd.s32 s21, s3  }
0x9d: {  	[timem:s7], [sflag:s22] =	dma.local [hbm:s5], s20  }
0x9e: {  	_ =	swait.ge [sflag:s22], s20  }
0x9f: {  	s4 =	ssub.s32 $0x0, s20;
	[sflag:s22] =	ssyncset.done $0x0  }
0xa0: {  	[sflag:s22] =	ssyncadd.s32 s4;
	_ =	sdelay $0x1  }
0xa1: {  	s23 =	simm.s32 $0x1B8B  }
0xa2: {  	_ =	swait.ge [sflag:s23], $0x1  }
0xa3: {  	[sflag:s23] =	ssyncset.done $0x0  }
0xa4: {  	s25 =	simm.s32 $0x1B8E;
	s24 =	sld [smem:$0x3FFE];
	[sflag:s23] =	ssyncadd.s32 $0xFFFFFFFF  }
0xa5: {  	s26 =	simm.s32 $execute0_lowered;
	[smem:$0x3FD2] =	sst s25  }
0xa6: {  	s5 =	sshll.u32 s26, $0x1;
	_ =	strace $0x80000046;
	[dreg:$0x1] =	wrdreg $0xFFFFFFFF  }
0xa7: {  	s28 =	simm.s32 $_size_execute0_lowered;
	s3 =	sadd.s32 s3, s5;
	[dreg:$0x0] =	wrdreg $0x0  }
0xa8: {  	s5 =	sshll.u32 s28, $0x1;
	[dreg:$0x2] =	wrdreg s3  }
0xa9: {  	[dreg:$0x3] =	wrdreg s5  }
0xaa: {  	[dreg:$0x4] =	wrdreg $0xC0  }
0xab: {  	_ =	task [dreg:s7], $0x5FFFF  }
0xac: {  	[dreg:$0x1] =	wrdreg $0xFFFFFFFF  }
0xad: {  	[dreg:$0x0] =	wrdreg $0x60  }
0xae: {  	[dreg:$0x2] =	wrdreg s2  }
0xaf: {  	[dreg:$0x3] =	wrdreg s24  }
0xb0: {  	[dreg:$0x4] =	wrdreg $0x9  }
0xb1: {  	_ =	task.clear_ibuf [dreg:s7], $0x5FFFF;
	_ =	strace $0x90000046  }
0xb2: {  	s29 =	simm.s32 $0x9;
	_ =	strace $0x80000048  }
0xb3: {  	_ =	swait.ge [sflag:s29], $0x1  }
0xb4: {  	[sflag:s29] =	ssyncadd.s32 $0xFFFFFFFF  }
0xb5: {  	_ =	strace $0x90000048  }
0xb6: {  	_ =	sfence  }
0xb7: {  	s30 =	sld [smem:$0x0];
	_ =	sdelay $0x2  }
0xb8: {  	s31 =	sshll.u32 s1, $0xD;
	s1 =	sshrl.u32 s1, $0x2  }
0xb9: {  	s3 =	sand.u32 $0x4000, s31;
	s1 =	sadd.s32 s1, s30  }
0xba: {  	s0 =	sor.u32 s3, s0;
	s1 =	sshll.u32 s1, $0x11  }
0xbb: {  	s0 =	sor.u32 s1, s0  }
0xbc: {  	s0 =	sadd.s32 $0x8F2B, s0  }
0xbd: {  	[sflag:s0] =	ssyncadd.remote.s32 $0x1  }
0xbe: {  	_ =	sfence.sel $0xFFFF  }
0xbf: {  	[dreg:$0x0] =	wrdreg $0xFFFFFFFF;
	(pc) =	sbr.abs _section_cstart, $3  }
0xc0: {  	[dreg:$0x1] =	wrdreg $0xFFFFFFFF  }
0xc1: {  	_ =	task.clear_ibuf [dreg:s7], $0x2FFFF;
	_ =	strace $0x9FFFFFFF  }
0xc2: {  	(tm) =	ssettm $0x7FFFFFFF  }
0xc3: {  	_ =	shalt  }
tec
execute0_lowered:
.L_overlay_start_1:
0x0: {  	(tag) =	ssettag $0x1  }
0x1: {  	s10 =	rddreg [dreg:$0x0]  }
0x2: {  	s1 =	srdreg.scid;
	s0 =	stileid.u32  }
0x3: {  	s3 =	rddreg [dreg:$0x1];
	s2 =	simm.s32 $0x0;
	s17 =	simm.s32 $0x1  }
0x4: {  	s18 =	simm.s32 $0x10000;
	s19 =	simm.s32 $0x2;
	s20 =	simm.s32 $0x0  }
0x5: {  	s4 =	sand.u32 $0x1, s1;
	s5 =	sshll.u32 s0, $0x1;
	s1 =	rddreg [dreg:$0x2]  }
0x6: {  	[smem:$0x7FF] =	sst s2;
	s14 =	sadd.s32 $0x400, s3;
	s8 =	sor.u32 s4, s5  }
0x7: {  	s4 =	ssub.s32 $0x2, s4;
	_ =	strace $0x80000047;
	s5 =	smul.u32 $0x64000, s8  }
0x8: {  	s31 =	sshrl.u32 s4, $0x1;
	s6 =	smul.u32 $0xC800, s8;
	s12 =	sshllo.u32 s8, $0x1  }
0x9: {  	s8 =	sshll.u32 s8, $0xE;
	s15 =	ssub.s32 s4, s31;
	s9 =	smul.u32 $0x32000, s12  }
0xa: {  	s8 =	sadd.s32 s14, s8;
	s16 =	sshll.u32 s12, $0xD;
	s5 =	sshrl.u32 s5, $0x3  }
0xb: {  	s3 =	sadd.s32 s10, s6;
	s14 =	sadd.s32 s14, s16;
	s15 =	smax.u32 s15, $0x1  }
0xc: {  	s16 =	simm.s32 $0x8000;
	s7 =	sadd.s32 s10, s5;
	s11 =	sadd.s32 $0xFFFFE000, s9  }
0xd: {  	s13 =	sshrl.u32 s9, $0x3;
	s4 =	sadd.s32 $0x1000, s7;
	s5 =	sadd.s32 $0x2800, s7  }
0xe: {  	s6 =	sadd.s32 $0x3800, s7;
	s11 =	sshrl.u32 s11, $0x3;
	s13 =	sadd.s32 s10, s13  }
0xf: {  	s7 =	sadd.s32 $0x5000, s7;
	s9 =	sadd.s32 s10, s11;
	s10 =	sadd.s32 $0x1400, s13  }
0x10: {  	s11 =	sadd.s32 $0x2400, s13;
	s12 =	sadd.s32 $0x3C00, s13;
	s13 =	sadd.s32 $0x4C00, s13  }
.LBB2_1:
0x11: {  	[tilespmem:s2], [sflag:$0x1] =	stream.linear.gather [hbm4b:s3+s2], $0x8000, $0x38;
	v63 =	vld [tilespmem:$0x0]  }
0x12: {  	_ = 	snop  }
0x13: {  	[tilespmem:s16], [sflag:$0x1] =	stream.linear.gather [hbm4b:s4+s2], $0x8000, $0x38;
	v63 =	vld [tilespmem:$0x0]  }
0x14: {  	_ =	swait.ge [sflag:s17], $0x8000  }
0x15: {  	s21 =	sand.u32 $0x70, s2;
	s22 =	sand.u32 $0x3C00, s2;
	[sflag:s17] =	ssyncset.done $0x0  }
0x16: {  	s21 =	sor.u32 s21, s22;
	[sflag:s17] =	ssyncadd.s32 $0xFFFF8000  }
0x17: {  	v0 =	vld [tilespmem:s21+$0x200]  }
0x18: {  	v1 =	vld [tilespmem:s21+$0x0]  }
0x19: {  	v2 =	vld [tilespmem:s21+$0x80]  }
0x1a: {  	s23 =	simm.s32 $0x10;
	s22 =	simm.s32 $0x80;
	v4 =	vld [tilespmem:s21+$0x100]  }
0x1b: {  	s23 =	sand.u32 $0x70, s23;
	s24 =	sand.u32 $0x3C00, s22  }
0x1c: {  	s23 =	sor.u32 s23, s24;
	v3 =	vld [tilespmem:s21+$0x180];
	[tilespmem:s21+$0x10200] =	vst v0  }
0x1d: {  	v0 =	vld [tilespmem:s23+$0x200];
	[tilespmem:s21+$0x10000] =	vst v1  }
0x1e: {  	v1 =	vld [tilespmem:s23+$0x0];
	[tilespmem:s21+$0x10080] =	vst v2  }
0x1f: {  	s24 =	simm.s32 $0x20;
	v2 =	vld [tilespmem:s23+$0x80];
	[tilespmem:s21+$0x10100] =	vst v4  }
.LBB2_2:
0x20: {  	s25 =	sand.u32 $0x70, s24  }
0x21: {  	v4 =	vld [tilespmem:s23+$0x100];
	s22 =	sadd.s32 $0x80, s22;
	[tilespmem:s21+$0x10180] =	vst v3;
	s21 =	smov.u32 s23;
	p0 =	sne.s32 s24, $0x7F0  }
.Ltmp0:
0x22: {  	s24 =	sadd.s32 $0x10, s24;
	s23 =	sand.u32 $0x3C00, s22;
	v3 =	vld [tilespmem:s21+$0x180];
	(pc) =	sbr.rel @p0 .LBB2_2-.Ltmp0, $4  }
0x23: {  	s23 =	sor.u32 s25, s23;
	[tilespmem:s21+$0x10200] =	vst v0  }
0x24: {  	v0 =	vld [tilespmem:s23+$0x200];
	[tilespmem:s21+$0x10000] =	vst v1  }
0x25: {  	v1 =	vld [tilespmem:s23+$0x0];
	[tilespmem:s21+$0x10080] =	vst v2  }
0x26: {  	v2 =	vld [tilespmem:s23+$0x80];
	[tilespmem:s21+$0x10100] =	vst v4  }
0x27: {  	v4 =	vld [tilespmem:s23+$0x100];
	[tilespmem:s21+$0x10180] =	vst v3  }
0x28: {  	v3 =	vld [tilespmem:s23+$0x180]  }
0x29: {  	[tilespmem:s23+$0x10200] =	vst v0  }
0x2a: {  	[tilespmem:s23+$0x10000] =	vst v1  }
0x2b: {  	[tilespmem:s23+$0x10080] =	vst v2  }
0x2c: {  	[tilespmem:s23+$0x10100] =	vst v4  }
0x2d: {  	s22 =	simm.s32 $0x0;
	[tilespmem:s23+$0x10180] =	vst v3  }
0x2e: {  	[tilespmem:s22], [sflag:$0x1] =	stream.linear.gather [hbm4b:s5+s22], $0x8000, $0x38;
	v63 =	vld [tilespmem:$0x0]  }
0x2f: {  	_ =	swait.ge [sflag:s17], $0x8000  }
0x30: {  	s29 =	sand.u32 $0x70, s22;
	s30 =	sand.u32 $0x3C00, s22;
	[sflag:s17] =	ssyncset.done $0x0  }
0x31: {  	s21 =	sor.u32 s29, s30;
	[sflag:s17] =	ssyncadd.s32 $0xFFFF8000  }
0x32: {  	v0 =	vld [tilespmem:s21+$0x8200]  }
0x33: {  	v1 =	vld [tilespmem:s21+$0x8280]  }
0x34: {  	v2 =	vld [tilespmem:s21+$0x8300]  }
0x35: {  	s22 =	sand.u32 $0x7, s22  }
0x36: {  	s22 =	sshll.u32 s22, $0x4  }
0x37: {  	s22 =	sadd.s32 $0x0, s22;
	[tilespmem:s21+$0x10280] =	vst v0  }
0x38: {  	s31 =	simm.s32 $0x10;
	s24 =	sor.u32 $0x380, s22;
	s22 =	simm.s32 $0x80;
	[tilespmem:s21+$0x10300] =	vst v1  }
0x39: {  	s23 =	sand.u32 $0x70, s31;
	s25 =	sand.u32 $0x3C00, s22;
	[tilespmem:s24+$0x10000] =	vst v2;
	v3 =	vld [tilespmem:s24+$0x8000]  }
0x3a: {  	s23 =	sor.u32 s23, s25;
	v2 =	vld [tilespmem:s21+$0xC000]  }
0x3b: {  	v1 =	vld [tilespmem:s23+$0x8200]  }
0x3c: {  	s25 =	simm.s32 $0x20;
	s24 =	simm.s32 $0x1;
	v0 =	vld [tilespmem:s23+$0x8280]  }
.LBB2_4:
0x3d: {  	p0 =	sne.s32 s25, $0x7F0  }
0x3e: {  	s26 =	sand.u32 $0x7, s24;
	v4 =	vld [tilespmem:s23+$0x8300];
	s28 =	smov.u32 s25;
	s25 =	sadd.s32 $0x10, s25  }
0x3f: {  	s26 =	sshll.u32 s26, $0x4;
	[tilespmem:s21+$0x14000] =	vst v3  }
0x40: {  	s26 =	sadd.s32 s26, s22;
	[tilespmem:s21+$0x14080] =	vst v2;
	s21 =	smov.u32 s23  }
0x41: {  	s22 =	sadd.s32 $0x80, s22;
	[tilespmem:s21+$0x10280] =	vst v1;
	s26 =	sor.u32 $0x380, s26  }
.Ltmp1:
0x42: {  	s23 =	sand.u32 $0x70, s28;
	s28 =	sand.u32 $0x3C00, s22;
	[tilespmem:s21+$0x10300] =	vst v0;
	(pc) =	sbr.rel @p0 .LBB2_4-.Ltmp1, $4  }
0x43: {  	s23 =	sor.u32 s23, s28;
	[tilespmem:s26+$0x10000] =	vst v4;
	v3 =	vld [tilespmem:s26+$0x8000]  }
0x44: {  	v2 =	vld [tilespmem:s21+$0xC000]  }
0x45: {  	s24 =	sadd.s32 $0x1, s24;
	v1 =	vld [tilespmem:s23+$0x8200]  }
0x46: {  	v0 =	vld [tilespmem:s23+$0x8280]  }
0x47: {  	v4 =	vld [tilespmem:s23+$0x8300]  }
0x48: {  	s24 =	sand.u32 $0x7, s24;
	[tilespmem:s21+$0x14000] =	vst v3  }
0x49: {  	s24 =	sshll.u32 s24, $0x4;
	[tilespmem:s21+$0x14080] =	vst v2  }
0x4a: {  	s26 =	sadd.s32 s24, s22;
	[tilespmem:s23+$0x10280] =	vst v1  }
0x4b: {  	s21 =	sor.u32 $0x380, s26;
	[tilespmem:s23+$0x10300] =	vst v0  }
0x4c: {  	[tilespmem:s21+$0x10000] =	vst v4;
	v0 =	vld [tilespmem:s21+$0x8000]  }
0x4d: {  	v1 =	vld [tilespmem:s23+$0xC000];
	_ =	sdelay $0x3  }
0x4e: {  	[tilespmem:s23+$0x14000] =	vst v0  }
0x4f: {  	s28 =	simm.s32 $0x0;
	[tilespmem:s23+$0x14080] =	vst v1  }
0x50: {  	[tilespmem:s16], [sflag:$0x1] =	stream.linear.gather [hbm4b:s6+s28], $0x8000, $0x38;
	v63 =	vld [tilespmem:$0x0]  }
0x51: {  	_ =	swait.ge [sflag:s17], $0x8000  }
0x52: {  	s29 =	sand.u32 $0x70, s28;
	s21 =	sand.u32 $0x3C00, s28;
	[sflag:s17] =	ssyncset.done $0x0  }
0x53: {  	s21 =	sor.u32 s29, s21;
	[sflag:s17] =	ssyncadd.s32 $0xFFFF8000  }
0x54: {  	v0 =	vld [tilespmem:s21+$0x200]  }
0x55: {  	v1 =	vld [tilespmem:s21+$0x0]  }
0x56: {  	v2 =	vld [tilespmem:s21+$0x80]  }
0x57: {  	s30 =	simm.s32 $0x10;
	s22 =	simm.s32 $0x80;
	v4 =	vld [tilespmem:s21+$0x100]  }
0x58: {  	s31 =	sand.u32 $0x3C00, s22;
	s23 =	sand.u32 $0x70, s30  }
0x59: {  	s23 =	sor.u32 s23, s31;
	v3 =	vld [tilespmem:s21+$0x180];
	[tilespmem:s21+$0x14300] =	vst v0  }
0x5a: {  	v0 =	vld [tilespmem:s23+$0x200];
	[tilespmem:s21+$0x14100] =	vst v1  }
0x5b: {  	v1 =	vld [tilespmem:s23+$0x0];
	[tilespmem:s21+$0x14180] =	vst v2  }
0x5c: {  	s24 =	simm.s32 $0x20;
	v2 =	vld [tilespmem:s23+$0x80];
	[tilespmem:s21+$0x14200] =	vst v4  }
.LBB2_6:
0x5d: {  	s25 =	sand.u32 $0x70, s24  }
0x5e: {  	v4 =	vld [tilespmem:s23+$0x100];
	s22 =	sadd.s32 $0x80, s22;
	[tilespmem:s21+$0x14280] =	vst v3;
	s21 =	smov.u32 s23;
	p0 =	sne.s32 s24, $0x7F0  }
.Ltmp2:
0x5f: {  	s24 =	sadd.s32 $0x10, s24;
	s23 =	sand.u32 $0x3C00, s22;
	v3 =	vld [tilespmem:s21+$0x180];
	(pc) =	sbr.rel @p0 .LBB2_6-.Ltmp2, $4  }
0x60: {  	s23 =	sor.u32 s25, s23;
	[tilespmem:s21+$0x14300] =	vst v0  }
0x61: {  	v0 =	vld [tilespmem:s23+$0x200];
	[tilespmem:s21+$0x14100] =	vst v1  }
0x62: {  	v1 =	vld [tilespmem:s23+$0x0];
	[tilespmem:s21+$0x14180] =	vst v2  }
0x63: {  	v2 =	vld [tilespmem:s23+$0x80];
	[tilespmem:s21+$0x14200] =	vst v4  }
0x64: {  	v4 =	vld [tilespmem:s23+$0x100];
	[tilespmem:s21+$0x14280] =	vst v3  }
0x65: {  	v3 =	vld [tilespmem:s23+$0x180]  }
0x66: {  	[tilespmem:s23+$0x14300] =	vst v0  }
0x67: {  	[tilespmem:s23+$0x14100] =	vst v1  }
0x68: {  	[tilespmem:s23+$0x14180] =	vst v2  }
0x69: {  	[tilespmem:s23+$0x14200] =	vst v4  }
0x6a: {  	s31 =	simm.s32 $0x0;
	[tilespmem:s23+$0x14280] =	vst v3  }
0x6b: {  	[tilespmem:s31], [sflag:$0x1] =	stream.linear.gather [hbm4b:s7+s31], $0x8000, $0x38;
	v63 =	vld [tilespmem:$0x0]  }
0x6c: {  	_ =	swait.ge [sflag:s17], $0x8000  }
0x6d: {  	s24 =	sand.u32 $0x70, s31;
	s22 =	sand.u32 $0x3C00, s31;
	[sflag:s17] =	ssyncset.done $0x0  }
0x6e: {  	s21 =	sor.u32 s24, s22;
	[sflag:s17] =	ssyncadd.s32 $0xFFFF8000  }
0x6f: {  	v0 =	vld [tilespmem:s21+$0x8300]  }
0x70: {  	v1 =	vld [tilespmem:s21+$0x8280]  }
0x71: {  	v2 =	vld [tilespmem:s21+$0x8200]  }
0x72: {  	s25 =	simm.s32 $0x10;
	s24 =	simm.s32 $0x80  }
0x73: {  	s22 =	sand.u32 $0x70, s25;
	s24 =	sand.u32 $0x3C00, s24  }
0x74: {  	s26 =	simm.s32 $0x1;
	s22 =	sor.u32 s22, s24;
	s23 =	sand.u32 $0x7, s31;
	v5 =	vld [tilespmem:s21+$0xC000];
	[tilespmem:s21+$0x18080] =	vst v0  }
0x75: {  	s29 =	simm.s32 $0x20;
	s24 =	sand.u32 $0x7, s26;
	s23 =	sshll.u32 s23, $0x4;
	v0 =	vld [tilespmem:s22+$0x8300];
	[tilespmem:s21+$0x18000] =	vst v1  }
0x76: {  	s25 =	sshll.u32 s24, $0x4;
	s24 =	simm.s32 $0x2;
	s23 =	sadd.s32 $0x0, s23;
	v1 =	vld [tilespmem:s22+$0x8280];
	[tilespmem:s21+$0x14380] =	vst v2  }
0x77: {  	s28 =	simm.s32 $0x100;
	s31 =	sand.u32 $0x7, s24;
	s26 =	sor.u32 $0x380, s23;
	v3 =	vld [tilespmem:s22+$0x8200]  }
0x78: {  	s29 =	sand.u32 $0x70, s29;
	s23 =	sadd.s32 $0x80, s25;
	s25 =	sshll.u32 s31, $0x4;
	v4 =	vld [tilespmem:s26+$0x8000]  }
0x79: {  	s30 =	sand.u32 $0x3C00, s28;
	s25 =	sadd.s32 $0x100, s25;
	s26 =	simm.s32 $0x30;
	v2 =	vld [tilespmem:s22+$0xC000];
	[tilespmem:s21+$0x18180] =	vst v5  }
.LBB2_8:
0x7a: {  	p0 =	sne.s32 s26, $0x7F0  }
0x7b: {  	s29 =	sor.u32 s29, s30;
	[tilespmem:s22+$0x18080] =	vst v0;
	s30 =	smov.u32 s26;
	s26 =	sadd.s32 $0x10, s26  }
.Ltmp3:
0x7c: {  	v0 =	vld [tilespmem:s29+$0x8300];
	[tilespmem:s22+$0x18000] =	vst v1;
	(pc) =	sbr.rel @p0 .LBB2_8-.Ltmp3, $4  }
0x7d: {  	s24 =	sadd.s32 $0x1, s24;
	s31 =	sor.u32 $0x380, s23;
	s23 =	smov.u32 s25;
	v1 =	vld [tilespmem:s29+$0x8280];
	[tilespmem:s22+$0x14380] =	vst v3  }
0x7e: {  	s25 =	sand.u32 $0x7, s24;
	v3 =	vld [tilespmem:s29+$0x8200];
	[tilespmem:s21+$0x18100] =	vst v4;
	s21 =	smov.u32 s22;
	s22 =	smov.u32 s29  }
0x7f: {  	s28 =	sadd.s32 $0x80, s28;
	s25 =	sshll.u32 s25, $0x4;
	v4 =	vld [tilespmem:s31+$0x8000]  }
0x80: {  	s25 =	sadd.s32 s25, s28;
	s29 =	sand.u32 $0x70, s30;
	s30 =	sand.u32 $0x3C00, s28;
	[tilespmem:s21+$0x18180] =	vst v2;
	v2 =	vld [tilespmem:s22+$0xC000]  }
0x81: {  	s24 =	sor.u32 s29, s30;
	[tilespmem:s22+$0x18080] =	vst v0  }
0x82: {  	v0 =	vld [tilespmem:s24+$0x8300];
	[tilespmem:s22+$0x18000] =	vst v1  }
0x83: {  	v1 =	vld [tilespmem:s24+$0x8280];
	[tilespmem:s22+$0x14380] =	vst v3  }
0x84: {  	s23 =	sor.u32 $0x380, s23;
	v3 =	vld [tilespmem:s24+$0x8200];
	[tilespmem:s21+$0x18100] =	vst v4  }
0x85: {  	v4 =	vld [tilespmem:s23+$0x8000]  }
0x86: {  	v5 =	vld [tilespmem:s24+$0xC000];
	[tilespmem:s22+$0x18180] =	vst v2  }
0x87: {  	[tilespmem:s24+$0x18080] =	vst v0  }
0x88: {  	[tilespmem:s24+$0x18000] =	vst v1  }
0x89: {  	[tilespmem:s24+$0x14380] =	vst v3  }
0x8a: {  	s26 =	sor.u32 $0x380, s25;
	[tilespmem:s22+$0x18100] =	vst v4  }
0x8b: {  	v0 =	vld [tilespmem:s26+$0x8000];
	_ =	sdelay $0x3  }
0x8c: {  	[tilespmem:s24+$0x18180] =	vst v5  }
0x8d: {  	[tilespmem:s24+$0x18100] =	vst v0  }
0x8e: {  	s28 =	simm.s32 $0x0;
	_ =	swait.ge [sflag:s17], $0x8000  }
0x8f: {  	s29 =	sand.u32 $0x70, s28;
	s21 =	sand.u32 $0x3C00, s28;
	[sflag:s17] =	ssyncset.done $0x0  }
0x90: {  	s21 =	sor.u32 s29, s21;
	[sflag:s17] =	ssyncadd.s32 $0xFFFF8000  }
0x91: {  	v0 =	vld [tilespmem:s21+$0x200]  }
0x92: {  	v1 =	vld [tilespmem:s21+$0x0]  }
0x93: {  	v2 =	vld [tilespmem:s21+$0x80]  }
0x94: {  	s30 =	simm.s32 $0x10;
	s22 =	simm.s32 $0x80;
	v4 =	vld [tilespmem:s21+$0x100]  }
0x95: {  	s23 =	sand.u32 $0x70, s30;
	s31 =	sand.u32 $0x3C00, s22  }
0x96: {  	s23 =	sor.u32 s23, s31;
	v3 =	vld [tilespmem:s21+$0x180];
	[tilespmem:s21+$0x1C000] =	vst v0  }
0x97: {  	v0 =	vld [tilespmem:s23+$0x200];
	[tilespmem:s21+$0x18200] =	vst v1  }
0x98: {  	v1 =	vld [tilespmem:s23+$0x0];
	[tilespmem:s21+$0x18280] =	vst v2  }
0x99: {  	s24 =	simm.s32 $0x20;
	v2 =	vld [tilespmem:s23+$0x80];
	[tilespmem:s21+$0x18300] =	vst v4  }
.LBB2_10:
0x9a: {  	s25 =	sand.u32 $0x70, s24  }
0x9b: {  	v4 =	vld [tilespmem:s23+$0x100];
	s22 =	sadd.s32 $0x80, s22;
	[tilespmem:s21+$0x18380] =	vst v3;
	s21 =	smov.u32 s23;
	p0 =	sne.s32 s24, $0x7F0  }
.Ltmp4:
0x9c: {  	s24 =	sadd.s32 $0x10, s24;
	s23 =	sand.u32 $0x3C00, s22;
	v3 =	vld [tilespmem:s21+$0x180];
	(pc) =	sbr.rel @p0 .LBB2_10-.Ltmp4, $4  }
0x9d: {  	s23 =	sor.u32 s25, s23;
	[tilespmem:s21+$0x1C000] =	vst v0  }
0x9e: {  	v0 =	vld [tilespmem:s23+$0x200];
	[tilespmem:s21+$0x18200] =	vst v1  }
0x9f: {  	v1 =	vld [tilespmem:s23+$0x0];
	[tilespmem:s21+$0x18280] =	vst v2  }
0xa0: {  	v2 =	vld [tilespmem:s23+$0x80];
	[tilespmem:s21+$0x18300] =	vst v4  }
0xa1: {  	v4 =	vld [tilespmem:s23+$0x100];
	[tilespmem:s21+$0x18380] =	vst v3  }
0xa2: {  	v3 =	vld [tilespmem:s23+$0x180]  }
0xa3: {  	[tilespmem:s23+$0x1C000] =	vst v0  }
0xa4: {  	[tilespmem:s23+$0x18200] =	vst v1  }
0xa5: {  	[tilespmem:s23+$0x18280] =	vst v2  }
0xa6: {  	[tilespmem:s23+$0x18300] =	vst v4  }
0xa7: {  	s31 =	simm.s32 $0x0;
	[tilespmem:s23+$0x18380] =	vst v3  }
0xa8: {  	[hbm4b:s8+s31] =	stream.linear.scatter [tilespmem:s18], [sflag:$0x2], $0x10000, $0x38;
	v63 =	vld [tilespmem:$0x0]  }
0xa9: {  	_ = 	snop  }
0xaa: {  	[tilespmem:s31], [sflag:$0x1] =	stream.linear.gather [hbm4b:s9+s31], $0x8000, $0x38;
	v63 =	vld [tilespmem:$0x0]  }
0xab: {  	_ = 	snop  }
0xac: {  	[tilespmem:s16], [sflag:$0x1] =	stream.linear.gather [hbm4b:s10+s31], $0x8000, $0x38;
	v63 =	vld [tilespmem:$0x0]  }
0xad: {  	_ =	swait.ge [sflag:s17], $0x8000  }
0xae: {  	s24 =	sand.u32 $0x70, s31;
	s22 =	sand.u32 $0x3C00, s31;
	[sflag:s17] =	ssyncset.done $0x0  }
0xaf: {  	s21 =	sor.u32 s22, s24;
	[sflag:s17] =	ssyncadd.s32 $0xFFFF8000  }
0xb0: {  	v0 =	vld [tilespmem:s21+$0x300]  }
0xb1: {  	v1 =	vld [tilespmem:s21+$0x280]  }
0xb2: {  	v2 =	vld [tilespmem:s21+$0x200]  }
0xb3: {  	s25 =	simm.s32 $0x10;
	s24 =	simm.s32 $0x80  }
0xb4: {  	s22 =	sand.u32 $0x70, s25;
	s24 =	sand.u32 $0x3C00, s24  }
0xb5: {  	s26 =	simm.s32 $0x1;
	s22 =	sor.u32 s24, s22;
	s23 =	sand.u32 $0x7, s31;
	v5 =	vld [tilespmem:s21+$0x4000];
	[tilespmem:s21+$0x10100] =	vst v0  }
0xb6: {  	s29 =	simm.s32 $0x20;
	s24 =	sand.u32 $0x7, s26;
	s23 =	sshll.u32 s23, $0x4;
	v0 =	vld [tilespmem:s22+$0x300];
	[tilespmem:s21+$0x10080] =	vst v1  }
0xb7: {  	s25 =	sshll.u32 s24, $0x4;
	s24 =	simm.s32 $0x2;
	s23 =	sadd.s32 $0x0, s23;
	v1 =	vld [tilespmem:s22+$0x280];
	[tilespmem:s21+$0x10000] =	vst v2  }
0xb8: {  	s28 =	simm.s32 $0x100;
	s26 =	sor.u32 $0x380, s23;
	s31 =	sand.u32 $0x7, s24;
	v3 =	vld [tilespmem:s22+$0x200]  }
0xb9: {  	s29 =	sand.u32 $0x70, s29;
	s23 =	sadd.s32 $0x80, s25;
	s25 =	sshll.u32 s31, $0x4;
	v4 =	vld [tilespmem:s26+$0x0]  }
0xba: {  	s30 =	sand.u32 $0x3C00, s28;
	s25 =	sadd.s32 $0x100, s25;
	s26 =	simm.s32 $0x30;
	v2 =	vld [tilespmem:s22+$0x4000];
	[tilespmem:s21+$0x10200] =	vst v5  }
.LBB2_12:
0xbb: {  	p0 =	sne.s32 s26, $0x7F0  }
0xbc: {  	s29 =	sor.u32 s30, s29;
	[tilespmem:s22+$0x10100] =	vst v0;
	s30 =	smov.u32 s26;
	s26 =	sadd.s32 $0x10, s26  }
.Ltmp5:
0xbd: {  	v0 =	vld [tilespmem:s29+$0x300];
	[tilespmem:s22+$0x10080] =	vst v1;
	(pc) =	sbr.rel @p0 .LBB2_12-.Ltmp5, $4  }
0xbe: {  	s24 =	sadd.s32 $0x1, s24;
	s31 =	sor.u32 $0x380, s23;
	s23 =	smov.u32 s25;
	v1 =	vld [tilespmem:s29+$0x280];
	[tilespmem:s22+$0x10000] =	vst v3  }
0xbf: {  	s25 =	sand.u32 $0x7, s24;
	v3 =	vld [tilespmem:s29+$0x200];
	[tilespmem:s21+$0x10180] =	vst v4;
	s21 =	smov.u32 s22;
	s22 =	smov.u32 s29  }
0xc0: {  	s28 =	sadd.s32 $0x80, s28;
	s25 =	sshll.u32 s25, $0x4;
	v4 =	vld [tilespmem:s31+$0x0]  }
0xc1: {  	s25 =	sadd.s32 s25, s28;
	s29 =	sand.u32 $0x70, s30;
	s30 =	sand.u32 $0x3C00, s28;
	[tilespmem:s21+$0x10200] =	vst v2;
	v2 =	vld [tilespmem:s22+$0x4000]  }
0xc2: {  	s24 =	sor.u32 s30, s29;
	[tilespmem:s22+$0x10100] =	vst v0  }
0xc3: {  	v0 =	vld [tilespmem:s24+$0x300];
	[tilespmem:s22+$0x10080] =	vst v1  }
0xc4: {  	v1 =	vld [tilespmem:s24+$0x280];
	[tilespmem:s22+$0x10000] =	vst v3  }
0xc5: {  	s23 =	sor.u32 $0x380, s23;
	v3 =	vld [tilespmem:s24+$0x200];
	[tilespmem:s21+$0x10180] =	vst v4  }
0xc6: {  	v4 =	vld [tilespmem:s23+$0x0]  }
0xc7: {  	v5 =	vld [tilespmem:s24+$0x4000];
	[tilespmem:s22+$0x10200] =	vst v2  }
0xc8: {  	[tilespmem:s24+$0x10100] =	vst v0  }
0xc9: {  	[tilespmem:s24+$0x10080] =	vst v1  }
0xca: {  	[tilespmem:s24+$0x10000] =	vst v3  }
0xcb: {  	s25 =	sor.u32 $0x380, s25;
	[tilespmem:s22+$0x10180] =	vst v4  }
0xcc: {  	v0 =	vld [tilespmem:s25+$0x0];
	_ =	sdelay $0x3  }
0xcd: {  	[tilespmem:s24+$0x10200] =	vst v5  }
0xce: {  	s21 =	simm.s32 $0x0;
	[tilespmem:s24+$0x10180] =	vst v0  }
0xcf: {  	[tilespmem:s21], [sflag:$0x1] =	stream.linear.gather [hbm4b:s11+s21], $0x8000, $0x38;
	v63 =	vld [tilespmem:$0x0]  }
0xd0: {  	_ =	swait.ge [sflag:s17], $0x8000  }
0xd1: {  	s26 =	sand.u32 $0x70, s21;
	s28 =	sand.u32 $0x3C00, s21;
	[sflag:s17] =	ssyncset.done $0x0  }
0xd2: {  	s22 =	sor.u32 s26, s28;
	[sflag:s17] =	ssyncadd.s32 $0xFFFF8000  }
0xd3: {  	v0 =	vld [tilespmem:s22+$0x8000]  }
0xd4: {  	v1 =	vld [tilespmem:s22+$0x8080]  }
0xd5: {  	v2 =	vld [tilespmem:s22+$0x8100]  }
0xd6: {  	s29 =	sand.u32 $0x7, s21  }
0xd7: {  	s23 =	sshll.u32 s29, $0x4  }
0xd8: {  	s23 =	sadd.s32 $0x0, s23;
	[tilespmem:s22+$0x10280] =	vst v0  }
0xd9: {  	s23 =	sor.u32 $0x380, s23;
	[tilespmem:s22+$0x10300] =	vst v1  }
0xda: {  	s30 =	simm.s32 $0x10;
	[tilespmem:s23+$0x10000] =	vst v2;
	s23 =	simm.s32 $0x80  }
0xdb: {  	s24 =	sand.u32 $0x70, s30;
	s31 =	sand.u32 $0x3C00, s23;
	v1 =	vld [tilespmem:s22+$0x8180]  }
0xdc: {  	v2 =	vld [tilespmem:s22+$0x8200];
	s24 =	sor.u32 s24, s31  }
0xdd: {  	s25 =	simm.s32 $0x20;
	v0 =	vld [tilespmem:s24+$0x8000]  }
.LBB2_14:
0xde: {  	p0 =	sne.s32 s25, $0x7F0;
	v3 =	vld [tilespmem:s24+$0x8080]  }
0xdf: {  	s21 =	sadd.s32 $0x1, s21;
	v4 =	vld [tilespmem:s24+$0x8100]  }
0xe0: {  	s26 =	sand.u32 $0x7, s21;
	[tilespmem:s22+$0x14000] =	vst v1  }
0xe1: {  	s26 =	sshll.u32 s26, $0x4;
	[tilespmem:s22+$0x14080] =	vst v2;
	s22 =	smov.u32 s24  }
0xe2: {  	s24 =	sadd.s32 s26, s23;
	[tilespmem:s22+$0x10280] =	vst v0  }
.Ltmp6:
0xe3: {  	s24 =	sor.u32 $0x380, s24;
	[tilespmem:s22+$0x10300] =	vst v3;
	(pc) =	sbr.rel @p0 .LBB2_14-.Ltmp6, $4  }
0xe4: {  	s23 =	sadd.s32 $0x80, s23;
	[tilespmem:s24+$0x10000] =	vst v4  }
0xe5: {  	s26 =	sand.u32 $0x3C00, s23;
	s24 =	sand.u32 $0x70, s25;
	v1 =	vld [tilespmem:s22+$0x8180]  }
0xe6: {  	s24 =	sor.u32 s24, s26;
	v2 =	vld [tilespmem:s22+$0x8200]  }
0xe7: {  	s25 =	sadd.s32 $0x10, s25;
	v0 =	vld [tilespmem:s24+$0x8000]  }
0xe8: {  	v3 =	vld [tilespmem:s24+$0x8080]  }
0xe9: {  	v4 =	vld [tilespmem:s24+$0x8100];
	s21 =	sadd.s32 $0x1, s21  }
0xea: {  	s21 =	sand.u32 $0x7, s21;
	[tilespmem:s22+$0x14000] =	vst v1  }
0xeb: {  	s21 =	sshll.u32 s21, $0x4;
	[tilespmem:s22+$0x14080] =	vst v2  }
0xec: {  	s21 =	sadd.s32 s21, s23;
	[tilespmem:s24+$0x10280] =	vst v0  }
0xed: {  	s21 =	sor.u32 $0x380, s21;
	[tilespmem:s24+$0x10300] =	vst v3  }
0xee: {  	[tilespmem:s21+$0x10000] =	vst v4  }
0xef: {  	v0 =	vld [tilespmem:s24+$0x8180]  }
0xf0: {  	v1 =	vld [tilespmem:s24+$0x8200];
	_ =	sdelay $0x3  }
0xf1: {  	[tilespmem:s24+$0x14000] =	vst v0  }
0xf2: {  	s23 =	simm.s32 $0x0;
	[tilespmem:s24+$0x14080] =	vst v1  }
0xf3: {  	[tilespmem:s16], [sflag:$0x1] =	stream.linear.gather [hbm4b:s12+s23], $0x8000, $0x38;
	v63 =	vld [tilespmem:$0x0]  }
0xf4: {  	_ =	swait.ge [sflag:s17], $0x8000  }
0xf5: {  	s26 =	sand.u32 $0x70, s23;
	s31 =	sand.u32 $0x3C00, s23;
	[sflag:s17] =	ssyncset.done $0x0  }
0xf6: {  	s21 =	sor.u32 s26, s31;
	[sflag:s17] =	ssyncadd.s32 $0xFFFF8000  }
0xf7: {  	v0 =	vld [tilespmem:s21+$0x300]  }
0xf8: {  	v1 =	vld [tilespmem:s21+$0x280]  }
0xf9: {  	v2 =	vld [tilespmem:s21+$0x200]  }
0xfa: {  	s25 =	simm.s32 $0x80;
	s24 =	simm.s32 $0x10  }
0xfb: {  	s22 =	sand.u32 $0x70, s24;
	s24 =	sand.u32 $0x3C00, s25  }
0xfc: {  	s26 =	simm.s32 $0x1;
	s23 =	sand.u32 $0x7, s23;
	s22 =	sor.u32 s22, s24;
	v5 =	vld [tilespmem:s21+$0x4000];
	[tilespmem:s21+$0x14200] =	vst v0  }
0xfd: {  	s29 =	simm.s32 $0x20;
	s23 =	sshll.u32 s23, $0x4;
	s24 =	sand.u32 $0x7, s26;
	v0 =	vld [tilespmem:s22+$0x300];
	[tilespmem:s21+$0x14180] =	vst v1  }
0xfe: {  	s23 =	sadd.s32 $0x0, s23;
	s25 =	sshll.u32 s24, $0x4;
	s24 =	simm.s32 $0x2;
	v1 =	vld [tilespmem:s22+$0x280];
	[tilespmem:s21+$0x14100] =	vst v2  }
0xff: {  	s28 =	simm.s32 $0x100;
	s26 =	sor.u32 $0x380, s23;
	s31 =	sand.u32 $0x7, s24;
	v3 =	vld [tilespmem:s22+$0x200]  }
0x100: {  	s29 =	sand.u32 $0x70, s29;
	s23 =	sadd.s32 $0x80, s25;
	s25 =	sshll.u32 s31, $0x4;
	v4 =	vld [tilespmem:s26+$0x0]  }
0x101: {  	s30 =	sand.u32 $0x3C00, s28;
	s25 =	sadd.s32 $0x100, s25;
	s26 =	simm.s32 $0x30;
	v2 =	vld [tilespmem:s22+$0x4000];
	[tilespmem:s21+$0x14300] =	vst v5  }
.LBB2_16:
0x102: {  	p0 =	sne.s32 s26, $0x7F0  }
0x103: {  	s29 =	sor.u32 s29, s30;
	[tilespmem:s22+$0x14200] =	vst v0;
	s30 =	smov.u32 s26;
	s26 =	sadd.s32 $0x10, s26  }
.Ltmp7:
0x104: {  	v0 =	vld [tilespmem:s29+$0x300];
	[tilespmem:s22+$0x14180] =	vst v1;
	(pc) =	sbr.rel @p0 .LBB2_16-.Ltmp7, $4  }
0x105: {  	s24 =	sadd.s32 $0x1, s24;
	s31 =	sor.u32 $0x380, s23;
	s23 =	smov.u32 s25;
	v1 =	vld [tilespmem:s29+$0x280];
	[tilespmem:s22+$0x14100] =	vst v3  }
0x106: {  	s25 =	sand.u32 $0x7, s24;
	v3 =	vld [tilespmem:s29+$0x200];
	[tilespmem:s21+$0x14280] =	vst v4;
	s21 =	smov.u32 s22;
	s22 =	smov.u32 s29  }
0x107: {  	s28 =	sadd.s32 $0x80, s28;
	s25 =	sshll.u32 s25, $0x4;
	v4 =	vld [tilespmem:s31+$0x0]  }
0x108: {  	s25 =	sadd.s32 s25, s28;
	s29 =	sand.u32 $0x70, s30;
	s30 =	sand.u32 $0x3C00, s28;
	[tilespmem:s21+$0x14300] =	vst v2;
	v2 =	vld [tilespmem:s22+$0x4000]  }
0x109: {  	s24 =	sor.u32 s29, s30;
	[tilespmem:s22+$0x14200] =	vst v0  }
0x10a: {  	v0 =	vld [tilespmem:s24+$0x300];
	[tilespmem:s22+$0x14180] =	vst v1  }
0x10b: {  	v1 =	vld [tilespmem:s24+$0x280];
	[tilespmem:s22+$0x14100] =	vst v3  }
0x10c: {  	s23 =	sor.u32 $0x380, s23;
	v3 =	vld [tilespmem:s24+$0x200];
	[tilespmem:s21+$0x14280] =	vst v4  }
0x10d: {  	v4 =	vld [tilespmem:s23+$0x0]  }
0x10e: {  	v5 =	vld [tilespmem:s24+$0x4000];
	[tilespmem:s22+$0x14300] =	vst v2  }
0x10f: {  	[tilespmem:s24+$0x14200] =	vst v0  }
0x110: {  	[tilespmem:s24+$0x14180] =	vst v1  }
0x111: {  	[tilespmem:s24+$0x14100] =	vst v3  }
0x112: {  	s26 =	sor.u32 $0x380, s25;
	[tilespmem:s22+$0x14280] =	vst v4  }
0x113: {  	v0 =	vld [tilespmem:s26+$0x0];
	_ =	sdelay $0x3  }
0x114: {  	[tilespmem:s24+$0x14300] =	vst v5  }
0x115: {  	s28 =	simm.s32 $0x0;
	[tilespmem:s24+$0x14280] =	vst v0  }
0x116: {  	[tilespmem:s28], [sflag:$0x1] =	stream.linear.gather [hbm4b:s13+s28], $0x8000, $0x38;
	v63 =	vld [tilespmem:$0x0]  }
0x117: {  	_ =	swait.ge [sflag:s17], $0x8000  }
0x118: {  	s29 =	sand.u32 $0x70, s28;
	s21 =	sand.u32 $0x3C00, s28;
	[sflag:s17] =	ssyncset.done $0x0  }
0x119: {  	s21 =	sor.u32 s29, s21;
	[sflag:s17] =	ssyncadd.s32 $0xFFFF8000  }
0x11a: {  	v0 =	vld [tilespmem:s21+$0x8200]  }
0x11b: {  	v1 =	vld [tilespmem:s21+$0x8000]  }
0x11c: {  	v2 =	vld [tilespmem:s21+$0x8080]  }
0x11d: {  	s30 =	simm.s32 $0x10;
	s22 =	simm.s32 $0x80;
	v4 =	vld [tilespmem:s21+$0x8100]  }
0x11e: {  	s23 =	sand.u32 $0x70, s30;
	s31 =	sand.u32 $0x3C00, s22  }
0x11f: {  	s23 =	sor.u32 s23, s31;
	v3 =	vld [tilespmem:s21+$0x8180];
	[tilespmem:s21+$0x18180] =	vst v0  }
0x120: {  	v0 =	vld [tilespmem:s23+$0x8200];
	[tilespmem:s21+$0x14380] =	vst v1  }
0x121: {  	v1 =	vld [tilespmem:s23+$0x8000];
	[tilespmem:s21+$0x18000] =	vst v2  }
0x122: {  	s24 =	simm.s32 $0x20;
	v2 =	vld [tilespmem:s23+$0x8080];
	[tilespmem:s21+$0x18080] =	vst v4  }
.LBB2_18:
0x123: {  	s25 =	sand.u32 $0x70, s24  }
0x124: {  	v4 =	vld [tilespmem:s23+$0x8100];
	s22 =	sadd.s32 $0x80, s22;
	[tilespmem:s21+$0x18100] =	vst v3;
	s21 =	smov.u32 s23;
	p0 =	sne.s32 s24, $0x7F0  }
.Ltmp8:
0x125: {  	s24 =	sadd.s32 $0x10, s24;
	s23 =	sand.u32 $0x3C00, s22;
	v3 =	vld [tilespmem:s21+$0x8180];
	(pc) =	sbr.rel @p0 .LBB2_18-.Ltmp8, $4  }
0x126: {  	s23 =	sor.u32 s25, s23;
	[tilespmem:s21+$0x18180] =	vst v0  }
0x127: {  	v0 =	vld [tilespmem:s23+$0x8200];
	[tilespmem:s21+$0x14380] =	vst v1  }
0x128: {  	v1 =	vld [tilespmem:s23+$0x8000];
	[tilespmem:s21+$0x18000] =	vst v2  }
0x129: {  	v2 =	vld [tilespmem:s23+$0x8080];
	[tilespmem:s21+$0x18080] =	vst v4  }
0x12a: {  	v4 =	vld [tilespmem:s23+$0x8100];
	[tilespmem:s21+$0x18100] =	vst v3  }
0x12b: {  	v3 =	vld [tilespmem:s23+$0x8180]  }
0x12c: {  	[tilespmem:s23+$0x18180] =	vst v0  }
0x12d: {  	[tilespmem:s23+$0x14380] =	vst v1  }
0x12e: {  	[tilespmem:s23+$0x18000] =	vst v2  }
0x12f: {  	[tilespmem:s23+$0x18080] =	vst v4  }
0x130: {  	[tilespmem:s23+$0x18100] =	vst v3  }
0x131: {  	s31 =	simm.s32 $0x0;
	_ =	swait.ge [sflag:s17], $0x8000  }
0x132: {  	s24 =	sand.u32 $0x70, s31;
	s22 =	sand.u32 $0x3C00, s31;
	[sflag:s17] =	ssyncset.done $0x0  }
0x133: {  	s21 =	sor.u32 s24, s22;
	[sflag:s17] =	ssyncadd.s32 $0xFFFF8000  }
0x134: {  	v0 =	vld [tilespmem:s21+$0x300]  }
0x135: {  	v1 =	vld [tilespmem:s21+$0x280]  }
0x136: {  	v2 =	vld [tilespmem:s21+$0x200]  }
0x137: {  	s25 =	simm.s32 $0x10;
	s24 =	simm.s32 $0x80  }
0x138: {  	s22 =	sand.u32 $0x70, s25;
	s24 =	sand.u32 $0x3C00, s24  }
0x139: {  	s26 =	simm.s32 $0x1;
	s22 =	sor.u32 s22, s24;
	s23 =	sand.u32 $0x7, s31;
	v5 =	vld [tilespmem:s21+$0x4000];
	[tilespmem:s21+$0x18300] =	vst v0  }
0x13a: {  	s29 =	simm.s32 $0x20;
	s24 =	sand.u32 $0x7, s26;
	s23 =	sshll.u32 s23, $0x4;
	v0 =	vld [tilespmem:s22+$0x300];
	[tilespmem:s21+$0x18280] =	vst v1  }
0x13b: {  	s25 =	sshll.u32 s24, $0x4;
	s24 =	simm.s32 $0x2;
	s23 =	sadd.s32 $0x0, s23;
	v1 =	vld [tilespmem:s22+$0x280];
	[tilespmem:s21+$0x18200] =	vst v2  }
0x13c: {  	s28 =	simm.s32 $0x100;
	s31 =	sand.u32 $0x7, s24;
	s26 =	sor.u32 $0x380, s23;
	v3 =	vld [tilespmem:s22+$0x200]  }
0x13d: {  	s29 =	sand.u32 $0x70, s29;
	s23 =	sadd.s32 $0x80, s25;
	s25 =	sshll.u32 s31, $0x4;
	v4 =	vld [tilespmem:s26+$0x0]  }
0x13e: {  	s30 =	sand.u32 $0x3C00, s28;
	s25 =	sadd.s32 $0x100, s25;
	s26 =	simm.s32 $0x30;
	v2 =	vld [tilespmem:s22+$0x4000];
	[tilespmem:s21+$0x1C000] =	vst v5  }
.LBB2_20:
0x13f: {  	p0 =	sne.s32 s26, $0x7F0  }
0x140: {  	s29 =	sor.u32 s29, s30;
	[tilespmem:s22+$0x18300] =	vst v0;
	s30 =	smov.u32 s26;
	s26 =	sadd.s32 $0x10, s26  }
.Ltmp9:
0x141: {  	v0 =	vld [tilespmem:s29+$0x300];
	[tilespmem:s22+$0x18280] =	vst v1;
	(pc) =	sbr.rel @p0 .LBB2_20-.Ltmp9, $4  }
0x142: {  	s24 =	sadd.s32 $0x1, s24;
	s31 =	sor.u32 $0x380, s23;
	s23 =	smov.u32 s25;
	v1 =	vld [tilespmem:s29+$0x280];
	[tilespmem:s22+$0x18200] =	vst v3  }
0x143: {  	s25 =	sand.u32 $0x7, s24;
	v3 =	vld [tilespmem:s29+$0x200];
	[tilespmem:s21+$0x18380] =	vst v4;
	s21 =	smov.u32 s22;
	s22 =	smov.u32 s29  }
0x144: {  	s28 =	sadd.s32 $0x80, s28;
	s25 =	sshll.u32 s25, $0x4;
	v4 =	vld [tilespmem:s31+$0x0]  }
0x145: {  	s25 =	sadd.s32 s25, s28;
	s29 =	sand.u32 $0x70, s30;
	s30 =	sand.u32 $0x3C00, s28;
	[tilespmem:s21+$0x1C000] =	vst v2;
	v2 =	vld [tilespmem:s22+$0x4000]  }
0x146: {  	s24 =	sor.u32 s29, s30;
	[tilespmem:s22+$0x18300] =	vst v0  }
0x147: {  	v0 =	vld [tilespmem:s24+$0x300];
	[tilespmem:s22+$0x18280] =	vst v1  }
0x148: {  	v1 =	vld [tilespmem:s24+$0x280];
	[tilespmem:s22+$0x18200] =	vst v3  }
0x149: {  	s23 =	sor.u32 $0x380, s23;
	v3 =	vld [tilespmem:s24+$0x200];
	[tilespmem:s21+$0x18380] =	vst v4  }
0x14a: {  	v4 =	vld [tilespmem:s23+$0x0]  }
0x14b: {  	v5 =	vld [tilespmem:s24+$0x4000];
	[tilespmem:s22+$0x1C000] =	vst v2  }
0x14c: {  	[tilespmem:s24+$0x18300] =	vst v0  }
0x14d: {  	[tilespmem:s24+$0x18280] =	vst v1  }
0x14e: {  	[tilespmem:s24+$0x18200] =	vst v3  }
0x14f: {  	s31 =	sor.u32 $0x380, s25;
	[tilespmem:s22+$0x18380] =	vst v4  }
0x150: {  	v0 =	vld [tilespmem:s31+$0x0];
	_ =	sdelay $0x3  }
0x151: {  	[tilespmem:s24+$0x1C000] =	vst v5  }
0x152: {  	[tilespmem:s24+$0x18380] =	vst v0  }
0x153: {  	s20 =	sadd.s32 $0x1, s20;
	_ =	swait.ge [sflag:s19], $0x10000  }
0x154: {  	p0 =	sne.s32 s20, s15;
	[sflag:s19] =	ssyncset.done $0x0  }
.Ltmp10:
0x155: {  	[sflag:s19] =	ssyncadd.s32 $0xFFFF0000;
	(pc) =	sbr.rel @p0 .LBB2_1-.Ltmp10, $4  }
0x156: {  	[hbm4b:s14+s2] =	stream.linear.scatter [tilespmem:s18], [sflag:$0x2], $0x10000, $0x38;
	v63 =	vld [tilespmem:$0x0]  }
0x157: {  	_ =	swait.ge [sflag:s19], $0x10000  }
0x158: {  	[sflag:s19] =	ssyncset.done $0x0  }
0x159: {  	[sflag:s19] =	ssyncadd.s32 $0xFFFF0000  }
0x15a: {  	_ =	sfence.sel $0x180000  }
0x15b: {  	[bflag:$0x0] =	sbarrier.arrive $0xFFFF  }
0x15c: {  	p0 =	sne.s32 s0, $0x0;
	_ =	strace $0x90000047  }
0x15d: {  	s0 =	sadd.s32 @!p0 $0x100000, s1;
	[bflag:$0x2] =	sbarrier.arrive $0xFFFF  }
0x15e: {  	[sflag:s0] =	ssyncadd.tile.s32 @!p0 $0x1;
	_ =	shalt  }
.Lfunc_end2:
_tile_overlayer_lowered:
.L_overlay_start_2:
0x15f: {  	(tag) =	ssettag $0x2  }
0x160: {  	s0 =	rddreg [dreg:$0x0];
	s2 =	stileid.u32  }
0x161: {  	s1 =	rddreg [dreg:$0x1];
	p0 =	sne.s32 s2, $0x0  }
0x162: {  	s3 =	rddreg [dreg:$0x2];
	[bflag:$0x3] =	sbarrier.arrive $0xFFFF;
	s2 =	simm.s32 @!p0 $0x1C03  }
0x163: {  	[timem:s3], [sflag:s2] =	dma.local @!p0 [hbm:s0], s1  }
0x164: {  	s0 =	simm.s32 @!p0 $0x3  }
0x165: {  	_ =	swait.ge @!p0 [sflag:s0], s1  }
0x166: {  	s1 =	ssub.s32 @!p0 $0x0, s1;
	[sflag:s0] =	ssyncset.done @!p0 $0x0  }
0x167: {  	[sflag:s0] =	ssyncadd.s32 @!p0 s1  }
0x168: {  	[bflag:$0x3] =	sbarrier.arrive $0xFFFF  }
0x169: {  	_ =	shalt  }

</sc_bundles>
